<compile_context>
chip_gen: v7x
topology: tpu7x:2x2x1
jax: 0.10.2.dev20260603
libtpu: 0.0.44.dev20260713+nightly
codegen_flags: <defaults>
</compile_context>

<pallas_src>
import functools

import jax
import jax.numpy as jnp
from jax import lax
from jax.experimental import pallas as pl
from jax.experimental.pallas import tpu as pltpu
from jax.experimental.pallas import tpu_sc as plsc

D_MODEL = 256
K = 8
Q = 1024
N = 100000

BQ = 512
CN = 4096
NCH = 25
N_PAD = NCH * CN

_HUGE_F = 1e30
_HUGE_I = 2 ** 30


def _make_topk_body(bq, cn, nch):
    def _topk_body(qp_ref, sp_ref, qn_ref, pn_ref, out_ref, topv, topi, d2s,
                   mrow, cont):
        n = pl.program_id(1)

        @pl.when(n == 0)
        def _init():
            topv[:, :] = jnp.full((bq, K), _HUGE_F, jnp.float32)
            topi[:, :] = _HUGE_I + lax.broadcasted_iota(jnp.int32, (bq, K), 1)

        qp = jnp.dot(qp_ref[:, :], sp_ref[:, :],
                     preferred_element_type=jnp.float32)
        d2 = (qn_ref[:, :] + pn_ref[:, :]) - 2.0 * qp
        d2s[:, :] = d2
        m0 = jnp.min(d2, axis=1, keepdims=True)
        mrow[:, :] = m0
        cm0 = jnp.max(topv[:, :], axis=1, keepdims=True)
        cont[0] = jnp.max((m0 <= cm0).astype(jnp.int32))

        lane = lax.broadcasted_iota(jnp.int32, (bq, cn), 1)
        base = n * cn
        for _ in range(K):
            @pl.when(cont[0] != 0)
            def _extract():
                m = mrow[:, :]
                d2v = d2s[:, :]
                cand = jnp.where(d2v <= m, lane, _HUGE_I)
                am = jnp.min(cand, axis=1, keepdims=True)
                gi = base + am
                tv = topv[:, :]
                ti = topi[:, :]
                cm = jnp.max(tv, axis=1, keepdims=True)
                is_max = tv == cm
                ev_i = jnp.max(jnp.where(is_max, ti, -1), axis=1,
                               keepdims=True)
                ev_mask = is_max & (ti == ev_i)
                take = (m < cm) | ((m == cm) & (gi < ev_i))
                upd = ev_mask & take
                tv = jnp.where(upd, m, tv)
                ti = jnp.where(upd, gi, ti)
                topv[:, :] = tv
                topi[:, :] = ti
                d2m = jnp.where(lane == am, _HUGE_F, d2v)
                d2s[:, :] = d2m
                m2 = jnp.min(d2m, axis=1, keepdims=True)
                mrow[:, :] = m2
                cm2 = jnp.max(tv, axis=1, keepdims=True)
                cont[0] = jnp.max((m2 <= cm2).astype(jnp.int32))

        @pl.when(n == nch - 1)
        def _emit():
            sv = topv[:, :]
            si = topi[:, :]
            cols = []
            for _ in range(K):
                m = jnp.min(sv, axis=1, keepdims=True)
                am = jnp.min(jnp.where(sv <= m, si, _HUGE_I), axis=1,
                             keepdims=True)
                cols.append(am)
                sv = jnp.where((sv <= m) & (si == am), _HUGE_F, sv)
            out_ref[:, :] = jnp.concatenate(cols, axis=1)

    return _topk_body


def _make_topk(q, bq, cn, nch, semantics=("parallel", "arbitrary")):
    return pl.pallas_call(
        _make_topk_body(bq, cn, nch),
        grid=(q // bq, nch),
        in_specs=[
            pl.BlockSpec((bq, 3), lambda i, n: (i, 0)),
            pl.BlockSpec((3, cn), lambda i, n: (0, n)),
            pl.BlockSpec((bq, 1), lambda i, n: (i, 0)),
            pl.BlockSpec((1, cn), lambda i, n: (0, n)),
        ],
        out_specs=pl.BlockSpec((bq, K), lambda i, n: (i, 0)),
        out_shape=jax.ShapeDtypeStruct((q, K), jnp.int32),
        scratch_shapes=[
            pltpu.VMEM((bq, K), jnp.float32),
            pltpu.VMEM((bq, K), jnp.int32),
            pltpu.VMEM((bq, cn), jnp.float32),
            pltpu.VMEM((bq, 1), jnp.float32),
            pltpu.SMEM((1,), jnp.int32),
        ],
        compiler_params=pltpu.CompilerParams(
            dimension_semantics=semantics,
        ),
    )


def _topk_indices(query_pos, sp_t, qn, pn):
    return _make_topk(Q, BQ, CN, NCH)(query_pos, sp_t, qn, pn)


def _sc_gather(table, idx):
    info = plsc.get_sparse_core_info()
    nc, ns = info.num_cores, info.num_subcores
    nw = nc * ns
    b = idx.shape[0]
    b_per_w = b // nw
    d = table.shape[1]
    mesh = plsc.VectorSubcoreMesh(core_axis_name="c", subcore_axis_name="s")

    @functools.partial(
        pl.kernel,
        mesh=mesh,
        out_type=jax.ShapeDtypeStruct((b, d), jnp.float32),
        scratch_types=[
            pltpu.VMEM((b_per_w,), jnp.int32),
            pltpu.VMEM((b_per_w, d), jnp.float32),
            pltpu.SemaphoreType.DMA,
        ],
    )
    def gk(table_hbm, idx_hbm, out_hbm, idx_v, rows_v, sem):
        wid = lax.axis_index("s") * nc + lax.axis_index("c")
        base = wid * b_per_w
        pltpu.sync_copy(idx_hbm.at[pl.ds(base, b_per_w)], idx_v)
        pltpu.async_copy(table_hbm.at[idx_v], rows_v, sem).wait()
        pltpu.sync_copy(rows_v, out_hbm.at[pl.ds(base, b_per_w)])

    return gk(table, idx)


def _tail_body(query_ref, feat_ref, wq_t_ref, wv_t_ref, wo_t_ref, wk_t_ref,
               wb_ref, g_ref, b_ref, out_ref):
    query = query_ref[:, :]
    q = jnp.dot(query, wq_t_ref[:, :], preferred_element_type=jnp.float32)
    v = jnp.dot(feat_ref[:, :], wv_t_ref[:, :],
                preferred_element_type=jnp.float32)
    kl = jnp.dot(q, wk_t_ref[:, :],
                 preferred_element_type=jnp.float32) + wb_ref[:, :]
    kl = kl - jnp.max(kl, axis=1, keepdims=True)
    e = jnp.exp(kl)
    ks = e / jnp.sum(e, axis=1, keepdims=True)
    v3 = v.reshape(Q, K, D_MODEL)
    vs = jnp.sum(v3 * ks[:, :, None], axis=1)
    w = q * vs
    out = jnp.dot(w, wo_t_ref[:, :],
                  preferred_element_type=jnp.float32) + query
    mu = jnp.mean(out, axis=1, keepdims=True)
    var = jnp.mean((out - mu) ** 2, axis=1, keepdims=True)
    out_ref[:, :] = (out - mu) / jnp.sqrt(var + 1e-5) * g_ref[:, :] + b_ref[:, :]


def _tail(query, feat, w_q, w_v, w_o, w_k, w_b, ln_g, ln_b):
    return pl.pallas_call(
        _tail_body,
        out_shape=jax.ShapeDtypeStruct((Q, D_MODEL), jnp.float32),
    )(query, feat, w_q.T, w_v.T, w_o.T, w_k.T,
      w_b.reshape(1, K), ln_g.reshape(1, D_MODEL), ln_b.reshape(1, D_MODEL))


def kernel(query, query_pos, inst_feats, sp_coords, w_q, w_v, w_o, w_k, w_b,
           ln_g, ln_b):
    sp_pad = jnp.pad(sp_coords, ((0, N_PAD - N), (0, 0)),
                     constant_values=1e4)
    sp_t = sp_pad.T
    qn = jnp.sum(query_pos * query_pos, axis=-1, keepdims=True)
    pn = jnp.sum(sp_pad * sp_pad, axis=-1).reshape(1, N_PAD)
    idx = _topk_indices(query_pos, sp_t, qn, pn)
    feat = _sc_gather(inst_feats, idx.reshape(Q * K))
    return _tail(query, feat, w_q, w_v, w_o, w_k, w_b, ln_g, ln_b)

# --- scband reference (transcript-rebuilt; emitter-appended) ---
"""Pipeline reference for scband-mamba-aggregation-22393959481417 (READ-ONLY COPY).

The authoritative reference and input builder live on the scoring server;
editing this copy changes nothing except your own understanding.
"""

import jax, jax.numpy as jnp
import numpy as np

D_MODEL = 256
K = 8
Q = 1024
N = 100000


def setup_inputs(seed: int = 0) -> dict:
    key = jax.random.key(seed)
    ks = jax.random.split(key, 12)
    query = jax.random.normal(ks[0], (Q, D_MODEL), dtype=jnp.float32)
    query_pos = jax.random.normal(ks[1], (Q, 3), dtype=jnp.float32)
    inst_feats = jax.random.normal(ks[2], (N, D_MODEL), dtype=jnp.float32)
    sp_coords = jax.random.normal(ks[3], (N, 3), dtype=jnp.float32)
    # learned parameters (xavier-ish scale for projections; small values for router)
    s = 1.0 / np.sqrt(D_MODEL)
    w_q = jax.random.normal(ks[4], (D_MODEL, D_MODEL), dtype=jnp.float32) * s
    w_v = jax.random.normal(ks[5], (D_MODEL, D_MODEL), dtype=jnp.float32) * s
    w_o = jax.random.normal(ks[6], (D_MODEL, D_MODEL), dtype=jnp.float32) * s
    w_k = jax.random.normal(ks[7], (K, D_MODEL), dtype=jnp.float32) * 0.02
    w_b = jnp.zeros((K,), dtype=jnp.float32)
    ln_g = jnp.ones((D_MODEL,), dtype=jnp.float32)
    ln_b = jnp.zeros((D_MODEL,), dtype=jnp.float32)
    return {
        "query": query,
        "query_pos": query_pos,
        "inst_feats": inst_feats,
        "sp_coords": sp_coords,
        "w_q": w_q,
        "w_v": w_v,
        "w_o": w_o,
        "w_k": w_k,
        "w_b": w_b,
        "ln_g": ln_g,
        "ln_b": ln_b,
    }


def _layernorm(x, g, b, eps=1e-5):
    mu = jnp.mean(x, axis=-1, keepdims=True)
    var = jnp.mean((x - mu) ** 2, axis=-1, keepdims=True)
    return (x - mu) / jnp.sqrt(var + eps) * g + b


def reference(query, query_pos, inst_feats, sp_coords, w_q, w_v, w_o, w_k, w_b, ln_g, ln_b):
    shortcut = query
    # knn_query_and_group: brute-force k-NN of query_pos in sp_coords, gather inst_feats
    qn = jnp.sum(query_pos * query_pos, axis=-1, keepdims=True)  # [Q,1]
    pn = jnp.sum(sp_coords * sp_coords, axis=-1)  # [N]
    d2 = qn + pn[None, :] - 2.0 * (query_pos @ sp_coords.T)  # [Q,N]
    _, idx = jax.lax.top_k(-d2, K)  # [Q,K] nearest neighbors
    feat = jnp.take(inst_feats, idx, axis=0)  # [Q,K,D]
    q = query @ w_q.T  # [Q,D]
    v = feat @ w_v.T  # [Q,K,D]
    q_expand = jnp.broadcast_to(q[:, None, :], (q.shape[0], K, q.shape[1]))
    k_logits = q @ w_k.T + w_b  # [Q,K]
    k_soft = jax.nn.softmax(k_logits, axis=-1)
    w = jnp.einsum('qk,qkd->qd', k_soft, q_expand * v)  # [Q,D]
    output = (w @ w_o.T) + shortcut  # dropout p=0 -> identity
    output = _layernorm(output, ln_g, ln_b)
    return output

if __name__ == "__main__":
    import jax
    _d = setup_inputs()
    print(jax.jit(kernel)(*tuple(_d.values())))

</pallas_src>

<mosaic_0001>
#map = affine_map<(d0, d1) -> (0, 0)>
#map1 = affine_map<(d0, d1) -> (0)>
module attributes {stable_mosaic.version = 14 : i64} {
  func.func @gk(%arg0: i32, %arg1: i32, %arg2: memref<100000x256xf32, #tpu.memory_space<hbm>>, %arg3: memref<8192xi32, #tpu.memory_space<hbm>>, %arg4: memref<8192x256xf32, #tpu.memory_space<hbm>>, %arg5: memref<256xi32, #tpu.memory_space<vmem>>, %arg6: memref<256x256xf32, #tpu.memory_space<vmem>>, %arg7: memref<!tpu.dma_semaphore, #tpu.memory_space<semaphore_mem>>) attributes {dimension_semantics = [#tpu.dimension_semantics<core_parallel>, #tpu.dimension_semantics<subcore_parallel>], iteration_bounds = array<i64: 2, 16>, scalar_prefetch = 0 : i64, scratch_operands = 3 : i64, tpu.core_type = #tpu.core_type<sc_vector_subcore>, window_params = [{transform_indices = #map}, {transform_indices = #map1}, {transform_indices = #map}]} {
    %mul3A = arith.constant 2 : i32
    %mul3A_0 = arith.muli %arg1, %mul3A : i32
    %add3A = arith.addi %mul3A_0, %arg0 : i32
    %mul3A_1 = arith.constant 256 : i32
    %mul3A_2 = arith.muli %add3A, %mul3A_1 : i32
    "tpu.region"() ({
      %run_scoped3A = tpu.sem_alloc : memref<!tpu.dma_semaphore, #tpu.memory_space<semaphore_mem>>
      %dma_start3A_7 = tpu.memref_slice %arg3[%mul3A_2] : memref<8192xi32, #tpu.memory_space<hbm>> -> memref<256xi32, #tpu.memory_space<hbm>>
      %dma_start3A_8 = tpu.memref_slice %arg3[%mul3A_2] : memref<8192xi32, #tpu.memory_space<hbm>> -> memref<256xi32, #tpu.memory_space<hbm>>
      tpu.enqueue_dma source(%dma_start3A_8 : memref<256xi32, #tpu.memory_space<hbm>>) target(%arg5 : memref<256xi32, #tpu.memory_space<vmem>>) target_semaphore(%run_scoped3A : memref<!tpu.dma_semaphore, #tpu.memory_space<semaphore_mem>>)
      %dma_wait3A_9 = tpu.memref_slice %arg3[%mul3A_2] : memref<8192xi32, #tpu.memory_space<hbm>> -> memref<256xi32, #tpu.memory_space<hbm>>
      %dma_wait3A_10 = tpu.memref_slice %arg3[%mul3A_2] : memref<8192xi32, #tpu.memory_space<hbm>> -> memref<256xi32, #tpu.memory_space<hbm>>
      tpu.wait_dma2 semaphore(%run_scoped3A : memref<!tpu.dma_semaphore, #tpu.memory_space<semaphore_mem>>) src(%dma_wait3A_10 : memref<256xi32, #tpu.memory_space<hbm>>) dst(%arg5 : memref<256xi32, #tpu.memory_space<vmem>>)
      tpu.yield
    }) : () -> ()
    %dma_start3A = arith.constant 0 : i32
    %dma_start3A_3 = arith.constant 0 : i32
    %dma_start3A_4 = tpu.memref_slice %arg2[%dma_start3A, %dma_start3A_3] : memref<100000x256xf32, #tpu.memory_space<hbm>> -> memref<100000x256xf32, #tpu.memory_space<hbm>>
    tpu.enqueue_indirect_dma source(%dma_start3A_4 : memref<100000x256xf32, #tpu.memory_space<hbm>>) target(%arg6 : memref<256x256xf32, #tpu.memory_space<vmem>>) offsets(%arg5 : memref<256xi32, #tpu.memory_space<vmem>>) semaphore(%arg7 : memref<!tpu.dma_semaphore, #tpu.memory_space<semaphore_mem>>)
    %dma_wait3A = arith.constant 0 : i32
    %dma_wait3A_5 = arith.constant 0 : i32
    %dma_wait3A_6 = tpu.memref_slice %arg2[%dma_wait3A, %dma_wait3A_5] : memref<100000x256xf32, #tpu.memory_space<hbm>> -> memref<100000x256xf32, #tpu.memory_space<hbm>>
    tpu.wait_indirect_dma semaphore(%arg7 : memref<!tpu.dma_semaphore, #tpu.memory_space<semaphore_mem>>) src(%dma_wait3A_6 : memref<100000x256xf32, #tpu.memory_space<hbm>>) dst(%arg6 : memref<256x256xf32, #tpu.memory_space<vmem>>)
    "tpu.region"() ({
      %run_scoped3A = tpu.sem_alloc : memref<!tpu.dma_semaphore, #tpu.memory_space<semaphore_mem>>
      %dma_start3A_7 = arith.constant 0 : i32
      %dma_start3A_8 = tpu.memref_slice %arg4[%mul3A_2, %dma_start3A_7] : memref<8192x256xf32, #tpu.memory_space<hbm>> -> memref<256x256xf32, #tpu.memory_space<hbm>>
      %dma_start3A_9 = arith.constant 0 : i32
      %dma_start3A_10 = tpu.memref_slice %arg4[%mul3A_2, %dma_start3A_9] : memref<8192x256xf32, #tpu.memory_space<hbm>> -> memref<256x256xf32, #tpu.memory_space<hbm>>
      tpu.enqueue_dma source(%arg6 : memref<256x256xf32, #tpu.memory_space<vmem>>) target(%dma_start3A_10 : memref<256x256xf32, #tpu.memory_space<hbm>>) target_semaphore(%run_scoped3A : memref<!tpu.dma_semaphore, #tpu.memory_space<semaphore_mem>>)
      %dma_wait3A_11 = arith.constant 0 : i32
      %dma_wait3A_12 = tpu.memref_slice %arg4[%mul3A_2, %dma_wait3A_11] : memref<8192x256xf32, #tpu.memory_space<hbm>> -> memref<256x256xf32, #tpu.memory_space<hbm>>
      %dma_wait3A_13 = arith.constant 0 : i32
      %dma_wait3A_14 = tpu.memref_slice %arg4[%mul3A_2, %dma_wait3A_13] : memref<8192x256xf32, #tpu.memory_space<hbm>> -> memref<256x256xf32, #tpu.memory_space<hbm>>
      tpu.wait_dma2 semaphore(%run_scoped3A : memref<!tpu.dma_semaphore, #tpu.memory_space<semaphore_mem>>) src(%arg6 : memref<256x256xf32, #tpu.memory_space<vmem>>) dst(%dma_wait3A_14 : memref<256x256xf32, #tpu.memory_space<hbm>>)
      tpu.yield
    }) : () -> ()
    return
  }
}

module attributes {stable_mosaic.version = 14 : i64} {
  func.func @_topk_body(%arg0: i32, %arg1: i32, %arg2: memref<512x3xf32, #tpu.memory_space<vmem>>, %arg3: memref<3x4096xf32, #tpu.memory_space<vmem>>, %arg4: memref<512x1xf32, #tpu.memory_space<vmem>>, %arg5: memref<1x4096xf32, #tpu.memory_space<vmem>>, %arg6: memref<512x8xi32, #tpu.memory_space<vmem>>, %arg7: memref<512x8xf32, #tpu.memory_space<vmem>>, %arg8: memref<512x8xi32, #tpu.memory_space<vmem>>, %arg9: memref<512x4096xf32, #tpu.memory_space<vmem>>, %arg10: memref<512x1xf32, #tpu.memory_space<vmem>>, %arg11: memref<1xi32, #tpu.memory_space<smem>>) attributes {dimension_semantics = [#tpu.dimension_semantics<parallel>, #tpu.dimension_semantics<arbitrary>], iteration_bounds = array<i64: 2, 25>, scalar_prefetch = 0 : i64, scratch_operands = 5 : i64, tpu.core_type = #tpu.core_type<tc>, window_params = [{transform_indices = @transform_0, window_bounds = array<i64: 512, 3>}, {transform_indices = @transform_1, window_bounds = array<i64: 3, 4096>}, {transform_indices = @transform_2, window_bounds = array<i64: 512, 1>}, {transform_indices = @transform_3, window_bounds = array<i64: 1, 4096>}, {transform_indices = @transform_4, window_bounds = array<i64: 512, 8>}]} {
    %eq3A = arith.constant 0 : i32
    %eq3A_0 = arith.cmpi eq, %arg1, %eq3A : i32
    %convert_element_type3A = arith.extui %eq3A_0 : i1 to i32
    %cond3A = arith.constant 0 : i32
    %cond3A_1 = arith.cmpi ne, %convert_element_type3A, %cond3A : i32
    scf.if %cond3A_1 {
      %broadcast_in_dim3A_99 = arith.constant 1.000000e+30 : f32
      %broadcast_in_dim3A_100 = vector.broadcast %broadcast_in_dim3A_99 : f32 to vector<512x8xf32>
      %swap3A_101 = arith.constant 0 : index
      %swap3A_102 = arith.constant 0 : index
      %swap3A_103 = vector.load %arg7[%swap3A_101, %swap3A_102] : memref<512x8xf32, #tpu.memory_space<vmem>>, vector<512x8xf32>
      tpu.vector_store %arg7[%swap3A_101, %swap3A_102], %broadcast_in_dim3A_100 {strides = array<i32>} : memref<512x8xf32, #tpu.memory_space<vmem>>, vector<512x8xf32>,
      %iota3A_104 = tpu.iota {dimensions = array<i32: 1>} : vector<512x8xi32>
      %add3A_105 = arith.constant 1073741824 : i32
      %add3A_106 = vector.broadcast %add3A_105 : i32 to vector<512x8xi32>
      %add3A_107 = arith.addi %add3A_106, %iota3A_104 : vector<512x8xi32>
      %swap3A_108 = arith.constant 0 : index
      %swap3A_109 = arith.constant 0 : index
      %swap3A_110 = vector.load %arg8[%swap3A_108, %swap3A_109] : memref<512x8xi32, #tpu.memory_space<vmem>>, vector<512x8xi32>
      tpu.vector_store %arg8[%swap3A_108, %swap3A_109], %add3A_107 {strides = array<i32>} : memref<512x8xi32, #tpu.memory_space<vmem>>, vector<512x8xi32>,
    } else {
    }
    %get3A = arith.constant 0 : index
    %get3A_2 = arith.constant 0 : index
    %get3A_3 = vector.load %arg2[%get3A, %get3A_2] : memref<512x3xf32, #tpu.memory_space<vmem>>, vector<512x3xf32>
    %get3A_4 = arith.constant 0 : index
    %get3A_5 = arith.constant 0 : index
    %get3A_6 = vector.load %arg3[%get3A_4, %get3A_5] : memref<3x4096xf32, #tpu.memory_space<vmem>>, vector<3x4096xf32>
    %dot_general3A = arith.constant dense<0.000000e+00> : vector<512x4096xf32>
    %dot_general3A_7 = tpu.matmul %get3A_3, %get3A_6, %dot_general3A {dimension_numbers = #tpu.dot_dimension_numbers<[1], [0], [0], [1], [0, 0, 1, 1], [], []>, transpose_lhs_hint = false} : vector<512x3xf32>, vector<3x4096xf32>, vector<512x4096xf32> -> vector<512x4096xf32>
    %get3A_8 = arith.constant 0 : index
    %get3A_9 = arith.constant 0 : index
    %get3A_10 = vector.load %arg4[%get3A_8, %get3A_9] : memref<512x1xf32, #tpu.memory_space<vmem>>, vector<512x1xf32>
    %get3A_11 = arith.constant 0 : index
    %get3A_12 = arith.constant 0 : index
    %get3A_13 = vector.load %arg5[%get3A_11, %get3A_12] : memref<1x4096xf32, #tpu.memory_space<vmem>>, vector<1x4096xf32>
    %add3A = vector.broadcast %get3A_10 : vector<512x1xf32> to vector<512x4096xf32>
    %add3A_14 = vector.broadcast %get3A_13 : vector<1x4096xf32> to vector<512x4096xf32>
    %add3A_15 = arith.addf %add3A, %add3A_14 : vector<512x4096xf32>
    %mul3A = arith.constant 2.000000e+00 : f32
    %mul3A_16 = vector.broadcast %mul3A : f32 to vector<512x4096xf32>
    %mul3A_17 = arith.mulf %mul3A_16, %dot_general3A_7 : vector<512x4096xf32>
    %sub3A = arith.subf %add3A_15, %mul3A_17 : vector<512x4096xf32>
    %swap3A = arith.constant 0 : index
    %swap3A_18 = arith.constant 0 : index
    %swap3A_19 = vector.load %arg9[%swap3A, %swap3A_18] : memref<512x4096xf32, #tpu.memory_space<vmem>>, vector<512x4096xf32>
    tpu.vector_store %arg9[%swap3A, %swap3A_18], %sub3A {strides = array<i32>} : memref<512x4096xf32, #tpu.memory_space<vmem>>, vector<512x4096xf32>,
    %reduce_min3A = arith.constant dense<0x7F800000> : vector<512xf32>
    %reduce_min3A_20 = vector.multi_reduction <minimumf>, %sub3A, %reduce_min3A [1] : vector<512x4096xf32> to vector<512xf32>
    %broadcast_in_dim3A = vector.shape_cast %reduce_min3A_20 : vector<512xf32> to vector<512x1xf32>
    %swap3A_21 = arith.constant 0 : index
    %swap3A_22 = arith.constant 0 : index
    %swap3A_23 = vector.load %arg10[%swap3A_21, %swap3A_22] : memref<512x1xf32, #tpu.memory_space<vmem>>, vector<512x1xf32>
    tpu.vector_store %arg10[%swap3A_21, %swap3A_22], %broadcast_in_dim3A {strides = array<i32>} : memref<512x1xf32, #tpu.memory_space<vmem>>, vector<512x1xf32>,
    %get3A_24 = arith.constant 0 : index
    %get3A_25 = arith.constant 0 : index
    %get3A_26 = vector.load %arg7[%get3A_24, %get3A_25] : memref<512x8xf32, #tpu.memory_space<vmem>>, vector<512x8xf32>
    %reduce_max3A = arith.constant dense<0xFF800000> : vector<512xf32>
    %reduce_max3A_27 = vector.multi_reduction <maximumf>, %get3A_26, %reduce_max3A [1] : vector<512x8xf32> to vector<512xf32>
    %broadcast_in_dim3A_28 = vector.shape_cast %reduce_max3A_27 : vector<512xf32> to vector<512x1xf32>
    %le3A = arith.cmpf ole, %broadcast_in_dim3A, %broadcast_in_dim3A_28 : vector<512x1xf32>
    %convert_element_type3A_29 = arith.extui %le3A : vector<512x1xi1> to vector<512x1xi32>
    %reduce_max3A_30 = vector.shape_cast %convert_element_type3A_29 : vector<512x1xi32> to vector<1x512x1xi32>
    %reduce_max3A_31 = arith.constant dense<-2147483648> : vector<1xi32>
    %reduce_max3A_32 = vector.multi_reduction <maxsi>, %reduce_max3A_30, %reduce_max3A_31 [1, 2] : vector<1x512x1xi32> to vector<1xi32>
    %reduce_max3A_33 = vector.shape_cast %reduce_max3A_32 : vector<1xi32> to vector<1x1x1xi32>
    %reduce_max3A_34 = vector.extract %reduce_max3A_33[0, 0, 0] : i32 from vector<1x1x1xi32>
    %swap3A_35 = arith.constant 0 : index
    %swap3A_36 = memref.load %arg11[%swap3A_35] : memref<1xi32, #tpu.memory_space<smem>>
    memref.store %reduce_max3A_34, %arg11[%swap3A_35] : memref<1xi32, #tpu.memory_space<smem>>
    %iota3A = tpu.iota {dimensions = array<i32: 1>} : vector<512x4096xi32>
    %mul3A_37 = arith.constant 4096 : i32
    %mul3A_38 = arith.muli %arg1, %mul3A_37 : i32
    %get3A_39 = arith.constant 0 : index
    %get3A_40 = memref.load %arg11[%get3A_39] : memref<1xi32, #tpu.memory_space<smem>>
    %ne3A = arith.constant 0 : i32
    %ne3A_41 = arith.cmpi ne, %get3A_40, %ne3A : i32
    %convert_element_type3A_42 = arith.extui %ne3A_41 : i1 to i32
    %cond3A_43 = arith.constant 0 : i32
    %cond3A_44 = arith.cmpi ne, %convert_element_type3A_42, %cond3A_43 : i32
    scf.if %cond3A_44 {
      %get3A_99 = arith.constant 0 : index
      %get3A_100 = arith.constant 0 : index
      %get3A_101 = vector.load %arg10[%get3A_99, %get3A_100] : memref<512x1xf32, #tpu.memory_space<vmem>>, vector<512x1xf32>
      %get3A_102 = arith.constant 0 : index
      %get3A_103 = arith.constant 0 : index
      %get3A_104 = vector.load %arg9[%get3A_102, %get3A_103] : memref<512x4096xf32, #tpu.memory_space<vmem>>, vector<512x4096xf32>
      %le3A_105 = vector.broadcast %get3A_101 : vector<512x1xf32> to vector<512x4096xf32>
      %le3A_106 = arith.cmpf ole, %get3A_104, %le3A_105 : vector<512x4096xf32>
      %jit3A = arith.constant 1073741824 : i32
      %broadcast_in_dim3A_107 = vector.broadcast %jit3A : i32 to vector<512x4096xi32>
      %select_n3A = arith.select %le3A_106, %iota3A, %broadcast_in_dim3A_107 : vector<512x4096xi1>, vector<512x4096xi32>
      %reduce_min3A_108 = arith.constant dense<2147483647> : vector<512xi32>
      %reduce_min3A_109 = vector.multi_reduction <minsi>, %select_n3A, %reduce_min3A_108 [1] : vector<512x4096xi32> to vector<512xi32>
      %broadcast_in_dim3A_110 = vector.shape_cast %reduce_min3A_109 : vector<512xi32> to vector<512x1xi32>
      %add3A_111 = vector.broadcast %mul3A_38 : i32 to vector<512x1xi32>
      %add3A_112 = arith.addi %add3A_111, %broadcast_in_dim3A_110 : vector<512x1xi32>
      %get3A_113 = arith.constant 0 : index
      %get3A_114 = arith.constant 0 : index
      %get3A_115 = vector.load %arg7[%get3A_113, %get3A_114] : memref<512x8xf32, #tpu.memory_space<vmem>>, vector<512x8xf32>
      %get3A_116 = arith.constant 0 : index
      %get3A_117 = arith.constant 0 : index
      %get3A_118 = vector.load %arg8[%get3A_116, %get3A_117] : memref<512x8xi32, #tpu.memory_space<vmem>>, vector<512x8xi32>
      %reduce_max3A_119 = arith.constant dense<0xFF800000> : vector<512xf32>
      %reduce_max3A_120 = vector.multi_reduction <maximumf>, %get3A_115, %reduce_max3A_119 [1] : vector<512x8xf32> to vector<512xf32>
      %broadcast_in_dim3A_121 = vector.shape_cast %reduce_max3A_120 : vector<512xf32> to vector<512x1xf32>
      %eq3A_122 = vector.broadcast %broadcast_in_dim3A_121 : vector<512x1xf32> to vector<512x8xf32>
      %eq3A_123 = arith.cmpf oeq, %get3A_115, %eq3A_122 : vector<512x8xf32>
      %jit3A_124 = arith.constant -1 : i32
      %broadcast_in_dim3A_125 = vector.broadcast %jit3A_124 : i32 to vector<512x8xi32>
      %select_n3A_126 = arith.select %eq3A_123, %get3A_118, %broadcast_in_dim3A_125 : vector<512x8xi1>, vector<512x8xi32>
      %reduce_max3A_127 = arith.constant dense<-2147483648> : vector<512xi32>
      %reduce_max3A_128 = vector.multi_reduction <maxsi>, %select_n3A_126, %reduce_max3A_127 [1] : vector<512x8xi32> to vector<512xi32>
      %broadcast_in_dim3A_129 = vector.shape_cast %reduce_max3A_128 : vector<512xi32> to vector<512x1xi32>
      %eq3A_130 = vector.broadcast %broadcast_in_dim3A_129 : vector<512x1xi32> to vector<512x8xi32>
      %eq3A_131 = arith.cmpi eq, %get3A_118, %eq3A_130 : vector<512x8xi32>
      %and3A = arith.andi %eq3A_123, %eq3A_131 : vector<512x8xi1>
      %lt3A = arith.cmpf olt, %get3A_101, %broadcast_in_dim3A_121 : vector<512x1xf32>
      %eq3A_132 = arith.cmpf oeq, %get3A_101, %broadcast_in_dim3A_121 : vector<512x1xf32>
      %lt3A_133 = arith.cmpi slt, %add3A_112, %broadcast_in_dim3A_129 : vector<512x1xi32>
      %and3A_134 = arith.andi %eq3A_132, %lt3A_133 : vector<512x1xi1>
      %or3A = arith.ori %lt3A, %and3A_134 : vector<512x1xi1>
      %and3A_135 = vector.broadcast %or3A : vector<512x1xi1> to vector<512x8xi1>
      %and3A_136 = arith.andi %and3A, %and3A_135 : vector<512x8xi1>
      %broadcast_in_dim3A_137 = vector.shape_cast %get3A_101 : vector<512x1xf32> to vector<512x1xf32>
      %broadcast_in_dim3A_138 = vector.broadcast %broadcast_in_dim3A_137 : vector<512x1xf32> to vector<512x8xf32>
      %select_n3A_139 = arith.select %and3A_136, %broadcast_in_dim3A_138, %get3A_115 : vector<512x8xi1>, vector<512x8xf32>
      %broadcast_in_dim3A_140 = vector.shape_cast %add3A_112 : vector<512x1xi32> to vector<512x1xi32>
      %broadcast_in_dim3A_141 = vector.broadcast %broadcast_in_dim3A_140 : vector<512x1xi32> to vector<512x8xi32>
      %select_n3A_142 = arith.select %and3A_136, %broadcast_in_dim3A_141, %get3A_118 : vector<512x8xi1>, vector<512x8xi32>
      %swap3A_143 = arith.constant 0 : index
      %swap3A_144 = arith.constant 0 : index
      %swap3A_145 = vector.load %arg7[%swap3A_143, %swap3A_144] : memref<512x8xf32, #tpu.memory_space<vmem>>, vector<512x8xf32>
      tpu.vector_store %arg7[%swap3A_143, %swap3A_144], %select_n3A_139 {strides = array<i32>} : memref<512x8xf32, #tpu.memory_space<vmem>>, vector<512x8xf32>,
      %swap3A_146 = arith.constant 0 : index
      %swap3A_147 = arith.constant 0 : index
      %swap3A_148 = vector.load %arg8[%swap3A_146, %swap3A_147] : memref<512x8xi32, #tpu.memory_space<vmem>>, vector<512x8xi32>
      tpu.vector_store %arg8[%swap3A_146, %swap3A_147], %select_n3A_142 {strides = array<i32>} : memref<512x8xi32, #tpu.memory_space<vmem>>, vector<512x8xi32>,
      %eq3A_149 = vector.broadcast %broadcast_in_dim3A_110 : vector<512x1xi32> to vector<512x4096xi32>
      %eq3A_150 = arith.cmpi eq, %iota3A, %eq3A_149 : vector<512x4096xi32>
      %jit3A_151 = arith.constant 1.000000e+30 : f32
      %broadcast_in_dim3A_152 = vector.broadcast %jit3A_151 : f32 to vector<512x4096xf32>
      %select_n3A_153 = arith.select %eq3A_150, %broadcast_in_dim3A_152, %get3A_104 : vector<512x4096xi1>, vector<512x4096xf32>
      %swap3A_154 = arith.constant 0 : index
      %swap3A_155 = arith.constant 0 : index
      %swap3A_156 = vector.load %arg9[%swap3A_154, %swap3A_155] : memref<512x4096xf32, #tpu.memory_space<vmem>>, vector<512x4096xf32>
      tpu.vector_store %arg9[%swap3A_154, %swap3A_155], %select_n3A_153 {strides = array<i32>} : memref<512x4096xf32, #tpu.memory_space<vmem>>, vector<512x4096xf32>,
      %reduce_min3A_157 = arith.constant dense<0x7F800000> : vector<512xf32>
      %reduce_min3A_158 = vector.multi_reduction <minimumf>, %select_n3A_153, %reduce_min3A_157 [1] : vector<512x4096xf32> to vector<512xf32>
      %broadcast_in_dim3A_159 = vector.shape_cast %reduce_min3A_158 : vector<512xf32> to vector<512x1xf32>
      %swap3A_160 = arith.constant 0 : index
      %swap3A_161 = arith.constant 0 : index
      %swap3A_162 = vector.load %arg10[%swap3A_160, %swap3A_161] : memref<512x1xf32, #tpu.memory_space<vmem>>, vector<512x1xf32>
      tpu.vector_store %arg10[%swap3A_160, %swap3A_161], %broadcast_in_dim3A_159 {strides = array<i32>} : memref<512x1xf32, #tpu.memory_space<vmem>>, vector<512x1xf32>,
      %reduce_max3A_163 = arith.constant dense<0xFF800000> : vector<512xf32>
      %reduce_max3A_164 = vector.multi_reduction <maximumf>, %select_n3A_139, %reduce_max3A_163 [1] : vector<512x8xf32> to vector<512xf32>
      %broadcast_in_dim3A_165 = vector.shape_cast %reduce_max3A_164 : vector<512xf32> to vector<512x1xf32>
      %le3A_166 = arith.cmpf ole, %broadcast_in_dim3A_159, %broadcast_in_dim3A_165 : vector<512x1xf32>
      %convert_element_type3A_167 = arith.extui %le3A_166 : vector<512x1xi1> to vector<512x1xi32>
      %reduce_max3A_168 = vector.shape_cast %convert_element_type3A_167 : vector<512x1xi32> to vector<1x512x1xi32>
      %reduce_max3A_169 = arith.constant dense<-2147483648> : vector<1xi32>
      %reduce_max3A_170 = vector.multi_reduction <maxsi>, %reduce_max3A_168, %reduce_max3A_169 [1, 2] : vector<1x512x1xi32> to vector<1xi32>
      %reduce_max3A_171 = vector.shape_cast %reduce_max3A_170 : vector<1xi32> to vector<1x1x1xi32>
      %reduce_max3A_172 = vector.extract %reduce_max3A_171[0, 0, 0] : i32 from vector<1x1x1xi32>
      %swap3A_173 = arith.constant 0 : index
      %swap3A_174 = memref.load %arg11[%swap3A_173] : memref<1xi32, #tpu.memory_space<smem>>
      memref.store %reduce_max3A_172, %arg11[%swap3A_173] : memref<1xi32, #tpu.memory_space<smem>>
    } else {
    }
    %get3A_45 = arith.constant 0 : index
    %get3A_46 = memref.load %arg11[%get3A_45] : memref<1xi32, #tpu.memory_space<smem>>
    %ne3A_47 = arith.constant 0 : i32
    %ne3A_48 = arith.cmpi ne, %get3A_46, %ne3A_47 : i32
    %convert_element_type3A_49 = arith.extui %ne3A_48 : i1 to i32
    %cond3A_50 = arith.constant 0 : i32
    %cond3A_51 = arith.cmpi ne, %convert_element_type3A_49, %cond3A_50 : i32
    scf.if %cond3A_51 {
      %get3A_99 = arith.constant 0 : index
      %get3A_100 = arith.constant 0 : index
      %get3A_101 = vector.load %arg10[%get3A_99, %get3A_100] : memref<512x1xf32, #tpu.memory_space<vmem>>, vector<512x1xf32>
      %get3A_102 = arith.constant 0 : index
      %get3A_103 = arith.constant 0 : index
      %get3A_104 = vector.load %arg9[%get3A_102, %get3A_103] : memref<512x4096xf32, #tpu.memory_space<vmem>>, vector<512x4096xf32>
      %le3A_105 = vector.broadcast %get3A_101 : vector<512x1xf32> to vector<512x4096xf32>
      %le3A_106 = arith.cmpf ole, %get3A_104, %le3A_105 : vector<512x4096xf32>
      %jit3A = arith.constant 1073741824 : i32
      %broadcast_in_dim3A_107 = vector.broadcast %jit3A : i32 to vector<512x4096xi32>
      %select_n3A = arith.select %le3A_106, %iota3A, %broadcast_in_dim3A_107 : vector<512x4096xi1>, vector<512x4096xi32>
      %reduce_min3A_108 = arith.constant dense<2147483647> : vector<512xi32>
      %reduce_min3A_109 = vector.multi_reduction <minsi>, %select_n3A, %reduce_min3A_108 [1] : vector<512x4096xi32> to vector<512xi32>
      %broadcast_in_dim3A_110 = vector.shape_cast %reduce_min3A_109 : vector<512xi32> to vector<512x1xi32>
      %add3A_111 = vector.broadcast %mul3A_38 : i32 to vector<512x1xi32>
      %add3A_112 = arith.addi %add3A_111, %broadcast_in_dim3A_110 : vector<512x1xi32>
      %get3A_113 = arith.constant 0 : index
      %get3A_114 = arith.constant 0 : index
      %get3A_115 = vector.load %arg7[%get3A_113, %get3A_114] : memref<512x8xf32, #tpu.memory_space<vmem>>, vector<512x8xf32>
      %get3A_116 = arith.constant 0 : index
      %get3A_117 = arith.constant 0 : index
      %get3A_118 = vector.load %arg8[%get3A_116, %get3A_117] : memref<512x8xi32, #tpu.memory_space<vmem>>, vector<512x8xi32>
      %reduce_max3A_119 = arith.constant dense<0xFF800000> : vector<512xf32>
      %reduce_max3A_120 = vector.multi_reduction <maximumf>, %get3A_115, %reduce_max3A_119 [1] : vector<512x8xf32> to vector<512xf32>
      %broadcast_in_dim3A_121 = vector.shape_cast %reduce_max3A_120 : vector<512xf32> to vector<512x1xf32>
      %eq3A_122 = vector.broadcast %broadcast_in_dim3A_121 : vector<512x1xf32> to vector<512x8xf32>
      %eq3A_123 = arith.cmpf oeq, %get3A_115, %eq3A_122 : vector<512x8xf32>
      %jit3A_124 = arith.constant -1 : i32
      %broadcast_in_dim3A_125 = vector.broadcast %jit3A_124 : i32 to vector<512x8xi32>
      %select_n3A_126 = arith.select %eq3A_123, %get3A_118, %broadcast_in_dim3A_125 : vector<512x8xi1>, vector<512x8xi32>
      %reduce_max3A_127 = arith.constant dense<-2147483648> : vector<512xi32>
      %reduce_max3A_128 = vector.multi_reduction <maxsi>, %select_n3A_126, %reduce_max3A_127 [1] : vector<512x8xi32> to vector<512xi32>
      %broadcast_in_dim3A_129 = vector.shape_cast %reduce_max3A_128 : vector<512xi32> to vector<512x1xi32>
      %eq3A_130 = vector.broadcast %broadcast_in_dim3A_129 : vector<512x1xi32> to vector<512x8xi32>
      %eq3A_131 = arith.cmpi eq, %get3A_118, %eq3A_130 : vector<512x8xi32>
      %and3A = arith.andi %eq3A_123, %eq3A_131 : vector<512x8xi1>
      %lt3A = arith.cmpf olt, %get3A_101, %broadcast_in_dim3A_121 : vector<512x1xf32>
      %eq3A_132 = arith.cmpf oeq, %get3A_101, %broadcast_in_dim3A_121 : vector<512x1xf32>
      %lt3A_133 = arith.cmpi slt, %add3A_112, %broadcast_in_dim3A_129 : vector<512x1xi32>
      %and3A_134 = arith.andi %eq3A_132, %lt3A_133 : vector<512x1xi1>
      %or3A = arith.ori %lt3A, %and3A_134 : vector<512x1xi1>
      %and3A_135 = vector.broadcast %or3A : vector<512x1xi1> to vector<512x8xi1>
      %and3A_136 = arith.andi %and3A, %and3A_135 : vector<512x8xi1>
      %broadcast_in_dim3A_137 = vector.shape_cast %get3A_101 : vector<512x1xf32> to vector<512x1xf32>
      %broadcast_in_dim3A_138 = vector.broadcast %broadcast_in_dim3A_137 : vector<512x1xf32> to vector<512x8xf32>
      %select_n3A_139 = arith.select %and3A_136, %broadcast_in_dim3A_138, %get3A_115 : vector<512x8xi1>, vector<512x8xf32>
      %broadcast_in_dim3A_140 = vector.shape_cast %add3A_112 : vector<512x1xi32> to vector<512x1xi32>
      %broadcast_in_dim3A_141 = vector.broadcast %broadcast_in_dim3A_140 : vector<512x1xi32> to vector<512x8xi32>
      %select_n3A_142 = arith.select %and3A_136, %broadcast_in_dim3A_141, %get3A_118 : vector<512x8xi1>, vector<512x8xi32>
      %swap3A_143 = arith.constant 0 : index
      %swap3A_144 = arith.constant 0 : index
      %swap3A_145 = vector.load %arg7[%swap3A_143, %swap3A_144] : memref<512x8xf32, #tpu.memory_space<vmem>>, vector<512x8xf32>
      tpu.vector_store %arg7[%swap3A_143, %swap3A_144], %select_n3A_139 {strides = array<i32>} : memref<512x8xf32, #tpu.memory_space<vmem>>, vector<512x8xf32>,
      %swap3A_146 = arith.constant 0 : index
      %swap3A_147 = arith.constant 0 : index
      %swap3A_148 = vector.load %arg8[%swap3A_146, %swap3A_147] : memref<512x8xi32, #tpu.memory_space<vmem>>, vector<512x8xi32>
      tpu.vector_store %arg8[%swap3A_146, %swap3A_147], %select_n3A_142 {strides = array<i32>} : memref<512x8xi32, #tpu.memory_space<vmem>>, vector<512x8xi32>,
      %eq3A_149 = vector.broadcast %broadcast_in_dim3A_110 : vector<512x1xi32> to vector<512x4096xi32>
      %eq3A_150 = arith.cmpi eq, %iota3A, %eq3A_149 : vector<512x4096xi32>
      %jit3A_151 = arith.constant 1.000000e+30 : f32
      %broadcast_in_dim3A_152 = vector.broadcast %jit3A_151 : f32 to vector<512x4096xf32>
      %select_n3A_153 = arith.select %eq3A_150, %broadcast_in_dim3A_152, %get3A_104 : vector<512x4096xi1>, vector<512x4096xf32>
      %swap3A_154 = arith.constant 0 : index
      %swap3A_155 = arith.constant 0 : index
      %swap3A_156 = vector.load %arg9[%swap3A_154, %swap3A_155] : memref<512x4096xf32, #tpu.memory_space<vmem>>, vector<512x4096xf32>
      tpu.vector_store %arg9[%swap3A_154, %swap3A_155], %select_n3A_153 {strides = array<i32>} : memref<512x4096xf32, #tpu.memory_space<vmem>>, vector<512x4096xf32>,
      %reduce_min3A_157 = arith.constant dense<0x7F800000> : vector<512xf32>
      %reduce_min3A_158 = vector.multi_reduction <minimumf>, %select_n3A_153, %reduce_min3A_157 [1] : vector<512x4096xf32> to vector<512xf32>
      %broadcast_in_dim3A_159 = vector.shape_cast %reduce_min3A_158 : vector<512xf32> to vector<512x1xf32>
      %swap3A_160 = arith.constant 0 : index
      %swap3A_161 = arith.constant 0 : index
      %swap3A_162 = vector.load %arg10[%swap3A_160, %swap3A_161] : memref<512x1xf32, #tpu.memory_space<vmem>>, vector<512x1xf32>
      tpu.vector_store %arg10[%swap3A_160, %swap3A_161], %broadcast_in_dim3A_159 {strides = array<i32>} : memref<512x1xf32, #tpu.memory_space<vmem>>, vector<512x1xf32>,
      %reduce_max3A_163 = arith.constant dense<0xFF800000> : vector<512xf32>
      %reduce_max3A_164 = vector.multi_reduction <maximumf>, %select_n3A_139, %reduce_max3A_163 [1] : vector<512x8xf32> to vector<512xf32>
      %broadcast_in_dim3A_165 = vector.shape_cast %reduce_max3A_164 : vector<512xf32> to vector<512x1xf32>
      %le3A_166 = arith.cmpf ole, %broadcast_in_dim3A_159, %broadcast_in_dim3A_165 : vector<512x1xf32>
      %convert_element_type3A_167 = arith.extui %le3A_166 : vector<512x1xi1> to vector<512x1xi32>
      %reduce_max3A_168 = vector.shape_cast %convert_element_type3A_167 : vector<512x1xi32> to vector<1x512x1xi32>
      %reduce_max3A_169 = arith.constant dense<-2147483648> : vector<1xi32>
      %reduce_max3A_170 = vector.multi_reduction <maxsi>, %reduce_max3A_168, %reduce_max3A_169 [1, 2] : vector<1x512x1xi32> to vector<1xi32>
      %reduce_max3A_171 = vector.shape_cast %reduce_max3A_170 : vector<1xi32> to vector<1x1x1xi32>
      %reduce_max3A_172 = vector.extract %reduce_max3A_171[0, 0, 0] : i32 from vector<1x1x1xi32>
      %swap3A_173 = arith.constant 0 : index
      %swap3A_174 = memref.load %arg11[%swap3A_173] : memref<1xi32, #tpu.memory_space<smem>>
      memref.store %reduce_max3A_172, %arg11[%swap3A_173] : memref<1xi32, #tpu.memory_space<smem>>
    } else {
    }
    %get3A_52 = arith.constant 0 : index
    %get3A_53 = memref.load %arg11[%get3A_52] : memref<1xi32, #tpu.memory_space<smem>>
    %ne3A_54 = arith.constant 0 : i32
    %ne3A_55 = arith.cmpi ne, %get3A_53, %ne3A_54 : i32
    %convert_element_type3A_56 = arith.extui %ne3A_55 : i1 to i32
    %cond3A_57 = arith.constant 0 : i32
    %cond3A_58 = arith.cmpi ne, %convert_element_type3A_56, %cond3A_57 : i32
    scf.if %cond3A_58 {
      %get3A_99 = arith.constant 0 : index
      %get3A_100 = arith.constant 0 : index
      %get3A_101 = vector.load %arg10[%get3A_99, %get3A_100] : memref<512x1xf32, #tpu.memory_space<vmem>>, vector<512x1xf32>
      %get3A_102 = arith.constant 0 : index
      %get3A_103 = arith.constant 0 : index
      %get3A_104 = vector.load %arg9[%get3A_102, %get3A_103] : memref<512x4096xf32, #tpu.memory_space<vmem>>, vector<512x4096xf32>
      %le3A_105 = vector.broadcast %get3A_101 : vector<512x1xf32> to vector<512x4096xf32>
      %le3A_106 = arith.cmpf ole, %get3A_104, %le3A_105 : vector<512x4096xf32>
      %jit3A = arith.constant 1073741824 : i32
      %broadcast_in_dim3A_107 = vector.broadcast %jit3A : i32 to vector<512x4096xi32>
      %select_n3A = arith.select %le3A_106, %iota3A, %broadcast_in_dim3A_107 : vector<512x4096xi1>, vector<512x4096xi32>
      %reduce_min3A_108 = arith.constant dense<2147483647> : vector<512xi32>
      %reduce_min3A_109 = vector.multi_reduction <minsi>, %select_n3A, %reduce_min3A_108 [1] : vector<512x4096xi32> to vector<512xi32>
      %broadcast_in_dim3A_110 = vector.shape_cast %reduce_min3A_109 : vector<512xi32> to vector<512x1xi32>
      %add3A_111 = vector.broadcast %mul3A_38 : i32 to vector<512x1xi32>
      %add3A_112 = arith.addi %add3A_111, %broadcast_in_dim3A_110 : vector<512x1xi32>
      %get3A_113 = arith.constant 0 : index
      %get3A_114 = arith.constant 0 : index
      %get3A_115 = vector.load %arg7[%get3A_113, %get3A_114] : memref<512x8xf32, #tpu.memory_space<vmem>>, vector<512x8xf32>
      %get3A_116 = arith.constant 0 : index
      %get3A_117 = arith.constant 0 : index
      %get3A_118 = vector.load %arg8[%get3A_116, %get3A_117] : memref<512x8xi32, #tpu.memory_space<vmem>>, vector<512x8xi32>
      %reduce_max3A_119 = arith.constant dense<0xFF800000> : vector<512xf32>
      %reduce_max3A_120 = vector.multi_reduction <maximumf>, %get3A_115, %reduce_max3A_119 [1] : vector<512x8xf32> to vector<512xf32>
      %broadcast_in_dim3A_121 = vector.shape_cast %reduce_max3A_120 : vector<512xf32> to vector<512x1xf32>
      %eq3A_122 = vector.broadcast %broadcast_in_dim3A_121 : vector<512x1xf32> to vector<512x8xf32>
      %eq3A_123 = arith.cmpf oeq, %get3A_115, %eq3A_122 : vector<512x8xf32>
      %jit3A_124 = arith.constant -1 : i32
      %broadcast_in_dim3A_125 = vector.broadcast %jit3A_124 : i32 to vector<512x8xi32>
      %select_n3A_126 = arith.select %eq3A_123, %get3A_118, %broadcast_in_dim3A_125 : vector<512x8xi1>, vector<512x8xi32>
      %reduce_max3A_127 = arith.constant dense<-2147483648> : vector<512xi32>
      %reduce_max3A_128 = vector.multi_reduction <maxsi>, %select_n3A_126, %reduce_max3A_127 [1] : vector<512x8xi32> to vector<512xi32>
      %broadcast_in_dim3A_129 = vector.shape_cast %reduce_max3A_128 : vector<512xi32> to vector<512x1xi32>
      %eq3A_130 = vector.broadcast %broadcast_in_dim3A_129 : vector<512x1xi32> to vector<512x8xi32>
      %eq3A_131 = arith.cmpi eq, %get3A_118, %eq3A_130 : vector<512x8xi32>
      %and3A = arith.andi %eq3A_123, %eq3A_131 : vector<512x8xi1>
      %lt3A = arith.cmpf olt, %get3A_101, %broadcast_in_dim3A_121 : vector<512x1xf32>
      %eq3A_132 = arith.cmpf oeq, %get3A_101, %broadcast_in_dim3A_121 : vector<512x1xf32>
      %lt3A_133 = arith.cmpi slt, %add3A_112, %broadcast_in_dim3A_129 : vector<512x1xi32>
      %and3A_134 = arith.andi %eq3A_132, %lt3A_133 : vector<512x1xi1>
      %or3A = arith.ori %lt3A, %and3A_134 : vector<512x1xi1>
      %and3A_135 = vector.broadcast %or3A : vector<512x1xi1> to vector<512x8xi1>
      %and3A_136 = arith.andi %and3A, %and3A_135 : vector<512x8xi1>
      %broadcast_in_dim3A_137 = vector.shape_cast %get3A_101 : vector<512x1xf32> to vector<512x1xf32>
      %broadcast_in_dim3A_138 = vector.broadcast %broadcast_in_dim3A_137 : vector<512x1xf32> to vector<512x8xf32>
      %select_n3A_139 = arith.select %and3A_136, %broadcast_in_dim3A_138, %get3A_115 : vector<512x8xi1>, vector<512x8xf32>
      %broadcast_in_dim3A_140 = vector.shape_cast %add3A_112 : vector<512x1xi32> to vector<512x1xi32>
      %broadcast_in_dim3A_141 = vector.broadcast %broadcast_in_dim3A_140 : vector<512x1xi32> to vector<512x8xi32>
      %select_n3A_142 = arith.select %and3A_136, %broadcast_in_dim3A_141, %get3A_118 : vector<512x8xi1>, vector<512x8xi32>
      %swap3A_143 = arith.constant 0 : index
      %swap3A_144 = arith.constant 0 : index
      %swap3A_145 = vector.load %arg7[%swap3A_143, %swap3A_144] : memref<512x8xf32, #tpu.memory_space<vmem>>, vector<512x8xf32>
      tpu.vector_store %arg7[%swap3A_143, %swap3A_144], %select_n3A_139 {strides = array<i32>} : memref<512x8xf32, #tpu.memory_space<vmem>>, vector<512x8xf32>,
      %swap3A_146 = arith.constant 0 : index
      %swap3A_147 = arith.constant 0 : index
      %swap3A_148 = vector.load %arg8[%swap3A_146, %swap3A_147] : memref<512x8xi32, #tpu.memory_space<vmem>>, vector<512x8xi32>
      tpu.vector_store %arg8[%swap3A_146, %swap3A_147], %select_n3A_142 {strides = array<i32>} : memref<512x8xi32, #tpu.memory_space<vmem>>, vector<512x8xi32>,
      %eq3A_149 = vector.broadcast %broadcast_in_dim3A_110 : vector<512x1xi32> to vector<512x4096xi32>
      %eq3A_150 = arith.cmpi eq, %iota3A, %eq3A_149 : vector<512x4096xi32>
      %jit3A_151 = arith.constant 1.000000e+30 : f32
      %broadcast_in_dim3A_152 = vector.broadcast %jit3A_151 : f32 to vector<512x4096xf32>
      %select_n3A_153 = arith.select %eq3A_150, %broadcast_in_dim3A_152, %get3A_104 : vector<512x4096xi1>, vector<512x4096xf32>
      %swap3A_154 = arith.constant 0 : index
      %swap3A_155 = arith.constant 0 : index
      %swap3A_156 = vector.load %arg9[%swap3A_154, %swap3A_155] : memref<512x4096xf32, #tpu.memory_space<vmem>>, vector<512x4096xf32>
      tpu.vector_store %arg9[%swap3A_154, %swap3A_155], %select_n3A_153 {strides = array<i32>} : memref<512x4096xf32, #tpu.memory_space<vmem>>, vector<512x4096xf32>,
      %reduce_min3A_157 = arith.constant dense<0x7F800000> : vector<512xf32>
      %reduce_min3A_158 = vector.multi_reduction <minimumf>, %select_n3A_153, %reduce_min3A_157 [1] : vector<512x4096xf32> to vector<512xf32>
      %broadcast_in_dim3A_159 = vector.shape_cast %reduce_min3A_158 : vector<512xf32> to vector<512x1xf32>
      %swap3A_160 = arith.constant 0 : index
      %swap3A_161 = arith.constant 0 : index
      %swap3A_162 = vector.load %arg10[%swap3A_160, %swap3A_161] : memref<512x1xf32, #tpu.memory_space<vmem>>, vector<512x1xf32>
      tpu.vector_store %arg10[%swap3A_160, %swap3A_161], %broadcast_in_dim3A_159 {strides = array<i32>} : memref<512x1xf32, #tpu.memory_space<vmem>>, vector<512x1xf32>,
      %reduce_max3A_163 = arith.constant dense<0xFF800000> : vector<512xf32>
      %reduce_max3A_164 = vector.multi_reduction <maximumf>, %select_n3A_139, %reduce_max3A_163 [1] : vector<512x8xf32> to vector<512xf32>
      %broadcast_in_dim3A_165 = vector.shape_cast %reduce_max3A_164 : vector<512xf32> to vector<512x1xf32>
      %le3A_166 = arith.cmpf ole, %broadcast_in_dim3A_159, %broadcast_in_dim3A_165 : vector<512x1xf32>
      %convert_element_type3A_167 = arith.extui %le3A_166 : vector<512x1xi1> to vector<512x1xi32>
      %reduce_max3A_168 = vector.shape_cast %convert_element_type3A_167 : vector<512x1xi32> to vector<1x512x1xi32>
      %reduce_max3A_169 = arith.constant dense<-2147483648> : vector<1xi32>
      %reduce_max3A_170 = vector.multi_reduction <maxsi>, %reduce_max3A_168, %reduce_max3A_169 [1, 2] : vector<1x512x1xi32> to vector<1xi32>
      %reduce_max3A_171 = vector.shape_cast %reduce_max3A_170 : vector<1xi32> to vector<1x1x1xi32>
      %reduce_max3A_172 = vector.extract %reduce_max3A_171[0, 0, 0] : i32 from vector<1x1x1xi32>
      %swap3A_173 = arith.constant 0 : index
      %swap3A_174 = memref.load %arg11[%swap3A_173] : memref<1xi32, #tpu.memory_space<smem>>
      memref.store %reduce_max3A_172, %arg11[%swap3A_173] : memref<1xi32, #tpu.memory_space<smem>>
    } else {
    }
    %get3A_59 = arith.constant 0 : index
    %get3A_60 = memref.load %arg11[%get3A_59] : memref<1xi32, #tpu.memory_space<smem>>
    %ne3A_61 = arith.constant 0 : i32
    %ne3A_62 = arith.cmpi ne, %get3A_60, %ne3A_61 : i32
    %convert_element_type3A_63 = arith.extui %ne3A_62 : i1 to i32
    %cond3A_64 = arith.constant 0 : i32
    %cond3A_65 = arith.cmpi ne, %convert_element_type3A_63, %cond3A_64 : i32
    scf.if %cond3A_65 {
      %get3A_99 = arith.constant 0 : index
      %get3A_100 = arith.constant 0 : index
      %get3A_101 = vector.load %arg10[%get3A_99, %get3A_100] : memref<512x1xf32, #tpu.memory_space<vmem>>, vector<512x1xf32>
      %get3A_102 = arith.constant 0 : index
      %get3A_103 = arith.constant 0 : index
      %get3A_104 = vector.load %arg9[%get3A_102, %get3A_103] : memref<512x4096xf32, #tpu.memory_space<vmem>>, vector<512x4096xf32>
      %le3A_105 = vector.broadcast %get3A_101 : vector<512x1xf32> to vector<512x4096xf32>
      %le3A_106 = arith.cmpf ole, %get3A_104, %le3A_105 : vector<512x4096xf32>
      %jit3A = arith.constant 1073741824 : i32
      %broadcast_in_dim3A_107 = vector.broadcast %jit3A : i32 to vector<512x4096xi32>
      %select_n3A = arith.select %le3A_106, %iota3A, %broadcast_in_dim3A_107 : vector<512x4096xi1>, vector<512x4096xi32>
      %reduce_min3A_108 = arith.constant dense<2147483647> : vector<512xi32>
      %reduce_min3A_109 = vector.multi_reduction <minsi>, %select_n3A, %reduce_min3A_108 [1] : vector<512x4096xi32> to vector<512xi32>
      %broadcast_in_dim3A_110 = vector.shape_cast %reduce_min3A_109 : vector<512xi32> to vector<512x1xi32>
      %add3A_111 = vector.broadcast %mul3A_38 : i32 to vector<512x1xi32>
      %add3A_112 = arith.addi %add3A_111, %broadcast_in_dim3A_110 : vector<512x1xi32>
      %get3A_113 = arith.constant 0 : index
      %get3A_114 = arith.constant 0 : index
      %get3A_115 = vector.load %arg7[%get3A_113, %get3A_114] : memref<512x8xf32, #tpu.memory_space<vmem>>, vector<512x8xf32>
      %get3A_116 = arith.constant 0 : index
      %get3A_117 = arith.constant 0 : index
      %get3A_118 = vector.load %arg8[%get3A_116, %get3A_117] : memref<512x8xi32, #tpu.memory_space<vmem>>, vector<512x8xi32>
      %reduce_max3A_119 = arith.constant dense<0xFF800000> : vector<512xf32>
      %reduce_max3A_120 = vector.multi_reduction <maximumf>, %get3A_115, %reduce_max3A_119 [1] : vector<512x8xf32> to vector<512xf32>
      %broadcast_in_dim3A_121 = vector.shape_cast %reduce_max3A_120 : vector<512xf32> to vector<512x1xf32>
      %eq3A_122 = vector.broadcast %broadcast_in_dim3A_121 : vector<512x1xf32> to vector<512x8xf32>
      %eq3A_123 = arith.cmpf oeq, %get3A_115, %eq3A_122 : vector<512x8xf32>
      %jit3A_124 = arith.constant -1 : i32
      %broadcast_in_dim3A_125 = vector.broadcast %jit3A_124 : i32 to vector<512x8xi32>
      %select_n3A_126 = arith.select %eq3A_123, %get3A_118, %broadcast_in_dim3A_125 : vector<512x8xi1>, vector<512x8xi32>
      %reduce_max3A_127 = arith.constant dense<-2147483648> : vector<512xi32>
      %reduce_max3A_128 = vector.multi_reduction <maxsi>, %select_n3A_126, %reduce_max3A_127 [1] : vector<512x8xi32> to vector<512xi32>
      %broadcast_in_dim3A_129 = vector.shape_cast %reduce_max3A_128 : vector<512xi32> to vector<512x1xi32>
      %eq3A_130 = vector.broadcast %broadcast_in_dim3A_129 : vector<512x1xi32> to vector<512x8xi32>
      %eq3A_131 = arith.cmpi eq, %get3A_118, %eq3A_130 : vector<512x8xi32>
      %and3A = arith.andi %eq3A_123, %eq3A_131 : vector<512x8xi1>
      %lt3A = arith.cmpf olt, %get3A_101, %broadcast_in_dim3A_121 : vector<512x1xf32>
      %eq3A_132 = arith.cmpf oeq, %get3A_101, %broadcast_in_dim3A_121 : vector<512x1xf32>
      %lt3A_133 = arith.cmpi slt, %add3A_112, %broadcast_in_dim3A_129 : vector<512x1xi32>
      %and3A_134 = arith.andi %eq3A_132, %lt3A_133 : vector<512x1xi1>
      %or3A = arith.ori %lt3A, %and3A_134 : vector<512x1xi1>
      %and3A_135 = vector.broadcast %or3A : vector<512x1xi1> to vector<512x8xi1>
      %and3A_136 = arith.andi %and3A, %and3A_135 : vector<512x8xi1>
      %broadcast_in_dim3A_137 = vector.shape_cast %get3A_101 : vector<512x1xf32> to vector<512x1xf32>
      %broadcast_in_dim3A_138 = vector.broadcast %broadcast_in_dim3A_137 : vector<512x1xf32> to vector<512x8xf32>
      %select_n3A_139 = arith.select %and3A_136, %broadcast_in_dim3A_138, %get3A_115 : vector<512x8xi1>, vector<512x8xf32>
      %broadcast_in_dim3A_140 = vector.shape_cast %add3A_112 : vector<512x1xi32> to vector<512x1xi32>
      %broadcast_in_dim3A_141 = vector.broadcast %broadcast_in_dim3A_140 : vector<512x1xi32> to vector<512x8xi32>
      %select_n3A_142 = arith.select %and3A_136, %broadcast_in_dim3A_141, %get3A_118 : vector<512x8xi1>, vector<512x8xi32>
      %swap3A_143 = arith.constant 0 : index
      %swap3A_144 = arith.constant 0 : index
      %swap3A_145 = vector.load %arg7[%swap3A_143, %swap3A_144] : memref<512x8xf32, #tpu.memory_space<vmem>>, vector<512x8xf32>
      tpu.vector_store %arg7[%swap3A_143, %swap3A_144], %select_n3A_139 {strides = array<i32>} : memref<512x8xf32, #tpu.memory_space<vmem>>, vector<512x8xf32>,
      %swap3A_146 = arith.constant 0 : index
      %swap3A_147 = arith.constant 0 : index
      %swap3A_148 = vector.load %arg8[%swap3A_146, %swap3A_147] : memref<512x8xi32, #tpu.memory_space<vmem>>, vector<512x8xi32>
      tpu.vector_store %arg8[%swap3A_146, %swap3A_147], %select_n3A_142 {strides = array<i32>} : memref<512x8xi32, #tpu.memory_space<vmem>>, vector<512x8xi32>,
      %eq3A_149 = vector.broadcast %broadcast_in_dim3A_110 : vector<512x1xi32> to vector<512x4096xi32>
      %eq3A_150 = arith.cmpi eq, %iota3A, %eq3A_149 : vector<512x4096xi32>
      %jit3A_151 = arith.constant 1.000000e+30 : f32
      %broadcast_in_dim3A_152 = vector.broadcast %jit3A_151 : f32 to vector<512x4096xf32>
      %select_n3A_153 = arith.select %eq3A_150, %broadcast_in_dim3A_152, %get3A_104 : vector<512x4096xi1>, vector<512x4096xf32>
      %swap3A_154 = arith.constant 0 : index
      %swap3A_155 = arith.constant 0 : index
      %swap3A_156 = vector.load %arg9[%swap3A_154, %swap3A_155] : memref<512x4096xf32, #tpu.memory_space<vmem>>, vector<512x4096xf32>
      tpu.vector_store %arg9[%swap3A_154, %swap3A_155], %select_n3A_153 {strides = array<i32>} : memref<512x4096xf32, #tpu.memory_space<vmem>>, vector<512x4096xf32>,
      %reduce_min3A_157 = arith.constant dense<0x7F800000> : vector<512xf32>
      %reduce_min3A_158 = vector.multi_reduction <minimumf>, %select_n3A_153, %reduce_min3A_157 [1] : vector<512x4096xf32> to vector<512xf32>
      %broadcast_in_dim3A_159 = vector.shape_cast %reduce_min3A_158 : vector<512xf32> to vector<512x1xf32>
      %swap3A_160 = arith.constant 0 : index
      %swap3A_161 = arith.constant 0 : index
      %swap3A_162 = vector.load %arg10[%swap3A_160, %swap3A_161] : memref<512x1xf32, #tpu.memory_space<vmem>>, vector<512x1xf32>
      tpu.vector_store %arg10[%swap3A_160, %swap3A_161], %broadcast_in_dim3A_159 {strides = array<i32>} : memref<512x1xf32, #tpu.memory_space<vmem>>, vector<512x1xf32>,
      %reduce_max3A_163 = arith.constant dense<0xFF800000> : vector<512xf32>
      %reduce_max3A_164 = vector.multi_reduction <maximumf>, %select_n3A_139, %reduce_max3A_163 [1] : vector<512x8xf32> to vector<512xf32>
      %broadcast_in_dim3A_165 = vector.shape_cast %reduce_max3A_164 : vector<512xf32> to vector<512x1xf32>
      %le3A_166 = arith.cmpf ole, %broadcast_in_dim3A_159, %broadcast_in_dim3A_165 : vector<512x1xf32>
      %convert_element_type3A_167 = arith.extui %le3A_166 : vector<512x1xi1> to vector<512x1xi32>
      %reduce_max3A_168 = vector.shape_cast %convert_element_type3A_167 : vector<512x1xi32> to vector<1x512x1xi32>
      %reduce_max3A_169 = arith.constant dense<-2147483648> : vector<1xi32>
      %reduce_max3A_170 = vector.multi_reduction <maxsi>, %reduce_max3A_168, %reduce_max3A_169 [1, 2] : vector<1x512x1xi32> to vector<1xi32>
      %reduce_max3A_171 = vector.shape_cast %reduce_max3A_170 : vector<1xi32> to vector<1x1x1xi32>
      %reduce_max3A_172 = vector.extract %reduce_max3A_171[0, 0, 0] : i32 from vector<1x1x1xi32>
      %swap3A_173 = arith.constant 0 : index
      %swap3A_174 = memref.load %arg11[%swap3A_173] : memref<1xi32, #tpu.memory_space<smem>>
      memref.store %reduce_max3A_172, %arg11[%swap3A_173] : memref<1xi32, #tpu.memory_space<smem>>
    } else {
    }
    %get3A_66 = arith.constant 0 : index
    %get3A_67 = memref.load %arg11[%get3A_66] : memref<1xi32, #tpu.memory_space<smem>>
    %ne3A_68 = arith.constant 0 : i32
    %ne3A_69 = arith.cmpi ne, %get3A_67, %ne3A_68 : i32
    %convert_element_type3A_70 = arith.extui %ne3A_69 : i1 to i32
    %cond3A_71 = arith.constant 0 : i32
    %cond3A_72 = arith.cmpi ne, %convert_element_type3A_70, %cond3A_71 : i32
    scf.if %cond3A_72 {
      %get3A_99 = arith.constant 0 : index
      %get3A_100 = arith.constant 0 : index
      %get3A_101 = vector.load %arg10[%get3A_99, %get3A_100] : memref<512x1xf32, #tpu.memory_space<vmem>>, vector<512x1xf32>
      %get3A_102 = arith.constant 0 : index
      %get3A_103 = arith.constant 0 : index
      %get3A_104 = vector.load %arg9[%get3A_102, %get3A_103] : memref<512x4096xf32, #tpu.memory_space<vmem>>, vector<512x4096xf32>
      %le3A_105 = vector.broadcast %get3A_101 : vector<512x1xf32> to vector<512x4096xf32>
      %le3A_106 = arith.cmpf ole, %get3A_104, %le3A_105 : vector<512x4096xf32>
      %jit3A = arith.constant 1073741824 : i32
      %broadcast_in_dim3A_107 = vector.broadcast %jit3A : i32 to vector<512x4096xi32>
      %select_n3A = arith.select %le3A_106, %iota3A, %broadcast_in_dim3A_107 : vector<512x4096xi1>, vector<512x4096xi32>
      %reduce_min3A_108 = arith.constant dense<2147483647> : vector<512xi32>
      %reduce_min3A_109 = vector.multi_reduction <minsi>, %select_n3A, %reduce_min3A_108 [1] : vector<512x4096xi32> to vector<512xi32>
      %broadcast_in_dim3A_110 = vector.shape_cast %reduce_min3A_109 : vector<512xi32> to vector<512x1xi32>
      %add3A_111 = vector.broadcast %mul3A_38 : i32 to vector<512x1xi32>
      %add3A_112 = arith.addi %add3A_111, %broadcast_in_dim3A_110 : vector<512x1xi32>
      %get3A_113 = arith.constant 0 : index
      %get3A_114 = arith.constant 0 : index
      %get3A_115 = vector.load %arg7[%get3A_113, %get3A_114] : memref<512x8xf32, #tpu.memory_space<vmem>>, vector<512x8xf32>
      %get3A_116 = arith.constant 0 : index
      %get3A_117 = arith.constant 0 : index
      %get3A_118 = vector.load %arg8[%get3A_116, %get3A_117] : memref<512x8xi32, #tpu.memory_space<vmem>>, vector<512x8xi32>
      %reduce_max3A_119 = arith.constant dense<0xFF800000> : vector<512xf32>
      %reduce_max3A_120 = vector.multi_reduction <maximumf>, %get3A_115, %reduce_max3A_119 [1] : vector<512x8xf32> to vector<512xf32>
      %broadcast_in_dim3A_121 = vector.shape_cast %reduce_max3A_120 : vector<512xf32> to vector<512x1xf32>
      %eq3A_122 = vector.broadcast %broadcast_in_dim3A_121 : vector<512x1xf32> to vector<512x8xf32>
      %eq3A_123 = arith.cmpf oeq, %get3A_115, %eq3A_122 : vector<512x8xf32>
      %jit3A_124 = arith.constant -1 : i32
      %broadcast_in_dim3A_125 = vector.broadcast %jit3A_124 : i32 to vector<512x8xi32>
      %select_n3A_126 = arith.select %eq3A_123, %get3A_118, %broadcast_in_dim3A_125 : vector<512x8xi1>, vector<512x8xi32>
      %reduce_max3A_127 = arith.constant dense<-2147483648> : vector<512xi32>
      %reduce_max3A_128 = vector.multi_reduction <maxsi>, %select_n3A_126, %reduce_max3A_127 [1] : vector<512x8xi32> to vector<512xi32>
      %broadcast_in_dim3A_129 = vector.shape_cast %reduce_max3A_128 : vector<512xi32> to vector<512x1xi32>
      %eq3A_130 = vector.broadcast %broadcast_in_dim3A_129 : vector<512x1xi32> to vector<512x8xi32>
      %eq3A_131 = arith.cmpi eq, %get3A_118, %eq3A_130 : vector<512x8xi32>
      %and3A = arith.andi %eq3A_123, %eq3A_131 : vector<512x8xi1>
      %lt3A = arith.cmpf olt, %get3A_101, %broadcast_in_dim3A_121 : vector<512x1xf32>
      %eq3A_132 = arith.cmpf oeq, %get3A_101, %broadcast_in_dim3A_121 : vector<512x1xf32>
      %lt3A_133 = arith.cmpi slt, %add3A_112, %broadcast_in_dim3A_129 : vector<512x1xi32>
      %and3A_134 = arith.andi %eq3A_132, %lt3A_133 : vector<512x1xi1>
      %or3A = arith.ori %lt3A, %and3A_134 : vector<512x1xi1>
      %and3A_135 = vector.broadcast %or3A : vector<512x1xi1> to vector<512x8xi1>
      %and3A_136 = arith.andi %and3A, %and3A_135 : vector<512x8xi1>
      %broadcast_in_dim3A_137 = vector.shape_cast %get3A_101 : vector<512x1xf32> to vector<512x1xf32>
      %broadcast_in_dim3A_138 = vector.broadcast %broadcast_in_dim3A_137 : vector<512x1xf32> to vector<512x8xf32>
      %select_n3A_139 = arith.select %and3A_136, %broadcast_in_dim3A_138, %get3A_115 : vector<512x8xi1>, vector<512x8xf32>
      %broadcast_in_dim3A_140 = vector.shape_cast %add3A_112 : vector<512x1xi32> to vector<512x1xi32>
      %broadcast_in_dim3A_141 = vector.broadcast %broadcast_in_dim3A_140 : vector<512x1xi32> to vector<512x8xi32>
      %select_n3A_142 = arith.select %and3A_136, %broadcast_in_dim3A_141, %get3A_118 : vector<512x8xi1>, vector<512x8xi32>
      %swap3A_143 = arith.constant 0 : index
      %swap3A_144 = arith.constant 0 : index
      %swap3A_145 = vector.load %arg7[%swap3A_143, %swap3A_144] : memref<512x8xf32, #tpu.memory_space<vmem>>, vector<512x8xf32>
      tpu.vector_store %arg7[%swap3A_143, %swap3A_144], %select_n3A_139 {strides = array<i32>} : memref<512x8xf32, #tpu.memory_space<vmem>>, vector<512x8xf32>,
      %swap3A_146 = arith.constant 0 : index
      %swap3A_147 = arith.constant 0 : index
      %swap3A_148 = vector.load %arg8[%swap3A_146, %swap3A_147] : memref<512x8xi32, #tpu.memory_space<vmem>>, vector<512x8xi32>
      tpu.vector_store %arg8[%swap3A_146, %swap3A_147], %select_n3A_142 {strides = array<i32>} : memref<512x8xi32, #tpu.memory_space<vmem>>, vector<512x8xi32>,
      %eq3A_149 = vector.broadcast %broadcast_in_dim3A_110 : vector<512x1xi32> to vector<512x4096xi32>
      %eq3A_150 = arith.cmpi eq, %iota3A, %eq3A_149 : vector<512x4096xi32>
      %jit3A_151 = arith.constant 1.000000e+30 : f32
      %broadcast_in_dim3A_152 = vector.broadcast %jit3A_151 : f32 to vector<512x4096xf32>
      %select_n3A_153 = arith.select %eq3A_150, %broadcast_in_dim3A_152, %get3A_104 : vector<512x4096xi1>, vector<512x4096xf32>
      %swap3A_154 = arith.constant 0 : index
      %swap3A_155 = arith.constant 0 : index
      %swap3A_156 = vector.load %arg9[%swap3A_154, %swap3A_155] : memref<512x4096xf32, #tpu.memory_space<vmem>>, vector<512x4096xf32>
      tpu.vector_store %arg9[%swap3A_154, %swap3A_155], %select_n3A_153 {strides = array<i32>} : memref<512x4096xf32, #tpu.memory_space<vmem>>, vector<512x4096xf32>,
      %reduce_min3A_157 = arith.constant dense<0x7F800000> : vector<512xf32>
      %reduce_min3A_158 = vector.multi_reduction <minimumf>, %select_n3A_153, %reduce_min3A_157 [1] : vector<512x4096xf32> to vector<512xf32>
      %broadcast_in_dim3A_159 = vector.shape_cast %reduce_min3A_158 : vector<512xf32> to vector<512x1xf32>
      %swap3A_160 = arith.constant 0 : index
      %swap3A_161 = arith.constant 0 : index
      %swap3A_162 = vector.load %arg10[%swap3A_160, %swap3A_161] : memref<512x1xf32, #tpu.memory_space<vmem>>, vector<512x1xf32>
      tpu.vector_store %arg10[%swap3A_160, %swap3A_161], %broadcast_in_dim3A_159 {strides = array<i32>} : memref<512x1xf32, #tpu.memory_space<vmem>>, vector<512x1xf32>,
      %reduce_max3A_163 = arith.constant dense<0xFF800000> : vector<512xf32>
      %reduce_max3A_164 = vector.multi_reduction <maximumf>, %select_n3A_139, %reduce_max3A_163 [1] : vector<512x8xf32> to vector<512xf32>
      %broadcast_in_dim3A_165 = vector.shape_cast %reduce_max3A_164 : vector<512xf32> to vector<512x1xf32>
      %le3A_166 = arith.cmpf ole, %broadcast_in_dim3A_159, %broadcast_in_dim3A_165 : vector<512x1xf32>
      %convert_element_type3A_167 = arith.extui %le3A_166 : vector<512x1xi1> to vector<512x1xi32>
      %reduce_max3A_168 = vector.shape_cast %convert_element_type3A_167 : vector<512x1xi32> to vector<1x512x1xi32>
      %reduce_max3A_169 = arith.constant dense<-2147483648> : vector<1xi32>
      %reduce_max3A_170 = vector.multi_reduction <maxsi>, %reduce_max3A_168, %reduce_max3A_169 [1, 2] : vector<1x512x1xi32> to vector<1xi32>
      %reduce_max3A_171 = vector.shape_cast %reduce_max3A_170 : vector<1xi32> to vector<1x1x1xi32>
      %reduce_max3A_172 = vector.extract %reduce_max3A_171[0, 0, 0] : i32 from vector<1x1x1xi32>
      %swap3A_173 = arith.constant 0 : index
      %swap3A_174 = memref.load %arg11[%swap3A_173] : memref<1xi32, #tpu.memory_space<smem>>
      memref.store %reduce_max3A_172, %arg11[%swap3A_173] : memref<1xi32, #tpu.memory_space<smem>>
    } else {
    }
    %get3A_73 = arith.constant 0 : index
    %get3A_74 = memref.load %arg11[%get3A_73] : memref<1xi32, #tpu.memory_space<smem>>
    %ne3A_75 = arith.constant 0 : i32
    %ne3A_76 = arith.cmpi ne, %get3A_74, %ne3A_75 : i32
    %convert_element_type3A_77 = arith.extui %ne3A_76 : i1 to i32
    %cond3A_78 = arith.constant 0 : i32
    %cond3A_79 = arith.cmpi ne, %convert_element_type3A_77, %cond3A_78 : i32
    scf.if %cond3A_79 {
      %get3A_99 = arith.constant 0 : index
      %get3A_100 = arith.constant 0 : index
      %get3A_101 = vector.load %arg10[%get3A_99, %get3A_100] : memref<512x1xf32, #tpu.memory_space<vmem>>, vector<512x1xf32>
      %get3A_102 = arith.constant 0 : index
      %get3A_103 = arith.constant 0 : index
      %get3A_104 = vector.load %arg9[%get3A_102, %get3A_103] : memref<512x4096xf32, #tpu.memory_space<vmem>>, vector<512x4096xf32>
      %le3A_105 = vector.broadcast %get3A_101 : vector<512x1xf32> to vector<512x4096xf32>
      %le3A_106 = arith.cmpf ole, %get3A_104, %le3A_105 : vector<512x4096xf32>
      %jit3A = arith.constant 1073741824 : i32
      %broadcast_in_dim3A_107 = vector.broadcast %jit3A : i32 to vector<512x4096xi32>
      %select_n3A = arith.select %le3A_106, %iota3A, %broadcast_in_dim3A_107 : vector<512x4096xi1>, vector<512x4096xi32>
      %reduce_min3A_108 = arith.constant dense<2147483647> : vector<512xi32>
      %reduce_min3A_109 = vector.multi_reduction <minsi>, %select_n3A, %reduce_min3A_108 [1] : vector<512x4096xi32> to vector<512xi32>
      %broadcast_in_dim3A_110 = vector.shape_cast %reduce_min3A_109 : vector<512xi32> to vector<512x1xi32>
      %add3A_111 = vector.broadcast %mul3A_38 : i32 to vector<512x1xi32>
      %add3A_112 = arith.addi %add3A_111, %broadcast_in_dim3A_110 : vector<512x1xi32>
      %get3A_113 = arith.constant 0 : index
      %get3A_114 = arith.constant 0 : index
      %get3A_115 = vector.load %arg7[%get3A_113, %get3A_114] : memref<512x8xf32, #tpu.memory_space<vmem>>, vector<512x8xf32>
      %get3A_116 = arith.constant 0 : index
      %get3A_117 = arith.constant 0 : index
      %get3A_118 = vector.load %arg8[%get3A_116, %get3A_117] : memref<512x8xi32, #tpu.memory_space<vmem>>, vector<512x8xi32>
      %reduce_max3A_119 = arith.constant dense<0xFF800000> : vector<512xf32>
      %reduce_max3A_120 = vector.multi_reduction <maximumf>, %get3A_115, %reduce_max3A_119 [1] : vector<512x8xf32> to vector<512xf32>
      %broadcast_in_dim3A_121 = vector.shape_cast %reduce_max3A_120 : vector<512xf32> to vector<512x1xf32>
      %eq3A_122 = vector.broadcast %broadcast_in_dim3A_121 : vector<512x1xf32> to vector<512x8xf32>
      %eq3A_123 = arith.cmpf oeq, %get3A_115, %eq3A_122 : vector<512x8xf32>
      %jit3A_124 = arith.constant -1 : i32
      %broadcast_in_dim3A_125 = vector.broadcast %jit3A_124 : i32 to vector<512x8xi32>
      %select_n3A_126 = arith.select %eq3A_123, %get3A_118, %broadcast_in_dim3A_125 : vector<512x8xi1>, vector<512x8xi32>
      %reduce_max3A_127 = arith.constant dense<-2147483648> : vector<512xi32>
      %reduce_max3A_128 = vector.multi_reduction <maxsi>, %select_n3A_126, %reduce_max3A_127 [1] : vector<512x8xi32> to vector<512xi32>
      %broadcast_in_dim3A_129 = vector.shape_cast %reduce_max3A_128 : vector<512xi32> to vector<512x1xi32>
      %eq3A_130 = vector.broadcast %broadcast_in_dim3A_129 : vector<512x1xi32> to vector<512x8xi32>
      %eq3A_131 = arith.cmpi eq, %get3A_118, %eq3A_130 : vector<512x8xi32>
      %and3A = arith.andi %eq3A_123, %eq3A_131 : vector<512x8xi1>
      %lt3A = arith.cmpf olt, %get3A_101, %broadcast_in_dim3A_121 : vector<512x1xf32>
      %eq3A_132 = arith.cmpf oeq, %get3A_101, %broadcast_in_dim3A_121 : vector<512x1xf32>
      %lt3A_133 = arith.cmpi slt, %add3A_112, %broadcast_in_dim3A_129 : vector<512x1xi32>
      %and3A_134 = arith.andi %eq3A_132, %lt3A_133 : vector<512x1xi1>
      %or3A = arith.ori %lt3A, %and3A_134 : vector<512x1xi1>
      %and3A_135 = vector.broadcast %or3A : vector<512x1xi1> to vector<512x8xi1>
      %and3A_136 = arith.andi %and3A, %and3A_135 : vector<512x8xi1>
      %broadcast_in_dim3A_137 = vector.shape_cast %get3A_101 : vector<512x1xf32> to vector<512x1xf32>
      %broadcast_in_dim3A_138 = vector.broadcast %broadcast_in_dim3A_137 : vector<512x1xf32> to vector<512x8xf32>
      %select_n3A_139 = arith.select %and3A_136, %broadcast_in_dim3A_138, %get3A_115 : vector<512x8xi1>, vector<512x8xf32>
      %broadcast_in_dim3A_140 = vector.shape_cast %add3A_112 : vector<512x1xi32> to vector<512x1xi32>
      %broadcast_in_dim3A_141 = vector.broadcast %broadcast_in_dim3A_140 : vector<512x1xi32> to vector<512x8xi32>
      %select_n3A_142 = arith.select %and3A_136, %broadcast_in_dim3A_141, %get3A_118 : vector<512x8xi1>, vector<512x8xi32>
      %swap3A_143 = arith.constant 0 : index
      %swap3A_144 = arith.constant 0 : index
      %swap3A_145 = vector.load %arg7[%swap3A_143, %swap3A_144] : memref<512x8xf32, #tpu.memory_space<vmem>>, vector<512x8xf32>
      tpu.vector_store %arg7[%swap3A_143, %swap3A_144], %select_n3A_139 {strides = array<i32>} : memref<512x8xf32, #tpu.memory_space<vmem>>, vector<512x8xf32>,
      %swap3A_146 = arith.constant 0 : index
      %swap3A_147 = arith.constant 0 : index
      %swap3A_148 = vector.load %arg8[%swap3A_146, %swap3A_147] : memref<512x8xi32, #tpu.memory_space<vmem>>, vector<512x8xi32>
      tpu.vector_store %arg8[%swap3A_146, %swap3A_147], %select_n3A_142 {strides = array<i32>} : memref<512x8xi32, #tpu.memory_space<vmem>>, vector<512x8xi32>,
      %eq3A_149 = vector.broadcast %broadcast_in_dim3A_110 : vector<512x1xi32> to vector<512x4096xi32>
      %eq3A_150 = arith.cmpi eq, %iota3A, %eq3A_149 : vector<512x4096xi32>
      %jit3A_151 = arith.constant 1.000000e+30 : f32
      %broadcast_in_dim3A_152 = vector.broadcast %jit3A_151 : f32 to vector<512x4096xf32>
      %select_n3A_153 = arith.select %eq3A_150, %broadcast_in_dim3A_152, %get3A_104 : vector<512x4096xi1>, vector<512x4096xf32>
      %swap3A_154 = arith.constant 0 : index
      %swap3A_155 = arith.constant 0 : index
      %swap3A_156 = vector.load %arg9[%swap3A_154, %swap3A_155] : memref<512x4096xf32, #tpu.memory_space<vmem>>, vector<512x4096xf32>
      tpu.vector_store %arg9[%swap3A_154, %swap3A_155], %select_n3A_153 {strides = array<i32>} : memref<512x4096xf32, #tpu.memory_space<vmem>>, vector<512x4096xf32>,
      %reduce_min3A_157 = arith.constant dense<0x7F800000> : vector<512xf32>
      %reduce_min3A_158 = vector.multi_reduction <minimumf>, %select_n3A_153, %reduce_min3A_157 [1] : vector<512x4096xf32> to vector<512xf32>
      %broadcast_in_dim3A_159 = vector.shape_cast %reduce_min3A_158 : vector<512xf32> to vector<512x1xf32>
      %swap3A_160 = arith.constant 0 : index
      %swap3A_161 = arith.constant 0 : index
      %swap3A_162 = vector.load %arg10[%swap3A_160, %swap3A_161] : memref<512x1xf32, #tpu.memory_space<vmem>>, vector<512x1xf32>
      tpu.vector_store %arg10[%swap3A_160, %swap3A_161], %broadcast_in_dim3A_159 {strides = array<i32>} : memref<512x1xf32, #tpu.memory_space<vmem>>, vector<512x1xf32>,
      %reduce_max3A_163 = arith.constant dense<0xFF800000> : vector<512xf32>
      %reduce_max3A_164 = vector.multi_reduction <maximumf>, %select_n3A_139, %reduce_max3A_163 [1] : vector<512x8xf32> to vector<512xf32>
      %broadcast_in_dim3A_165 = vector.shape_cast %reduce_max3A_164 : vector<512xf32> to vector<512x1xf32>
      %le3A_166 = arith.cmpf ole, %broadcast_in_dim3A_159, %broadcast_in_dim3A_165 : vector<512x1xf32>
      %convert_element_type3A_167 = arith.extui %le3A_166 : vector<512x1xi1> to vector<512x1xi32>
      %reduce_max3A_168 = vector.shape_cast %convert_element_type3A_167 : vector<512x1xi32> to vector<1x512x1xi32>
      %reduce_max3A_169 = arith.constant dense<-2147483648> : vector<1xi32>
      %reduce_max3A_170 = vector.multi_reduction <maxsi>, %reduce_max3A_168, %reduce_max3A_169 [1, 2] : vector<1x512x1xi32> to vector<1xi32>
      %reduce_max3A_171 = vector.shape_cast %reduce_max3A_170 : vector<1xi32> to vector<1x1x1xi32>
      %reduce_max3A_172 = vector.extract %reduce_max3A_171[0, 0, 0] : i32 from vector<1x1x1xi32>
      %swap3A_173 = arith.constant 0 : index
      %swap3A_174 = memref.load %arg11[%swap3A_173] : memref<1xi32, #tpu.memory_space<smem>>
      memref.store %reduce_max3A_172, %arg11[%swap3A_173] : memref<1xi32, #tpu.memory_space<smem>>
    } else {
    }
    %get3A_80 = arith.constant 0 : index
    %get3A_81 = memref.load %arg11[%get3A_80] : memref<1xi32, #tpu.memory_space<smem>>
    %ne3A_82 = arith.constant 0 : i32
    %ne3A_83 = arith.cmpi ne, %get3A_81, %ne3A_82 : i32
    %convert_element_type3A_84 = arith.extui %ne3A_83 : i1 to i32
    %cond3A_85 = arith.constant 0 : i32
    %cond3A_86 = arith.cmpi ne, %convert_element_type3A_84, %cond3A_85 : i32
    scf.if %cond3A_86 {
      %get3A_99 = arith.constant 0 : index
      %get3A_100 = arith.constant 0 : index
      %get3A_101 = vector.load %arg10[%get3A_99, %get3A_100] : memref<512x1xf32, #tpu.memory_space<vmem>>, vector<512x1xf32>
      %get3A_102 = arith.constant 0 : index
      %get3A_103 = arith.constant 0 : index
      %get3A_104 = vector.load %arg9[%get3A_102, %get3A_103] : memref<512x4096xf32, #tpu.memory_space<vmem>>, vector<512x4096xf32>
      %le3A_105 = vector.broadcast %get3A_101 : vector<512x1xf32> to vector<512x4096xf32>
      %le3A_106 = arith.cmpf ole, %get3A_104, %le3A_105 : vector<512x4096xf32>
      %jit3A = arith.constant 1073741824 : i32
      %broadcast_in_dim3A_107 = vector.broadcast %jit3A : i32 to vector<512x4096xi32>
      %select_n3A = arith.select %le3A_106, %iota3A, %broadcast_in_dim3A_107 : vector<512x4096xi1>, vector<512x4096xi32>
      %reduce_min3A_108 = arith.constant dense<2147483647> : vector<512xi32>
      %reduce_min3A_109 = vector.multi_reduction <minsi>, %select_n3A, %reduce_min3A_108 [1] : vector<512x4096xi32> to vector<512xi32>
      %broadcast_in_dim3A_110 = vector.shape_cast %reduce_min3A_109 : vector<512xi32> to vector<512x1xi32>
      %add3A_111 = vector.broadcast %mul3A_38 : i32 to vector<512x1xi32>
      %add3A_112 = arith.addi %add3A_111, %broadcast_in_dim3A_110 : vector<512x1xi32>
      %get3A_113 = arith.constant 0 : index
      %get3A_114 = arith.constant 0 : index
      %get3A_115 = vector.load %arg7[%get3A_113, %get3A_114] : memref<512x8xf32, #tpu.memory_space<vmem>>, vector<512x8xf32>
      %get3A_116 = arith.constant 0 : index
      %get3A_117 = arith.constant 0 : index
      %get3A_118 = vector.load %arg8[%get3A_116, %get3A_117] : memref<512x8xi32, #tpu.memory_space<vmem>>, vector<512x8xi32>
      %reduce_max3A_119 = arith.constant dense<0xFF800000> : vector<512xf32>
      %reduce_max3A_120 = vector.multi_reduction <maximumf>, %get3A_115, %reduce_max3A_119 [1] : vector<512x8xf32> to vector<512xf32>
      %broadcast_in_dim3A_121 = vector.shape_cast %reduce_max3A_120 : vector<512xf32> to vector<512x1xf32>
      %eq3A_122 = vector.broadcast %broadcast_in_dim3A_121 : vector<512x1xf32> to vector<512x8xf32>
      %eq3A_123 = arith.cmpf oeq, %get3A_115, %eq3A_122 : vector<512x8xf32>
      %jit3A_124 = arith.constant -1 : i32
      %broadcast_in_dim3A_125 = vector.broadcast %jit3A_124 : i32 to vector<512x8xi32>
      %select_n3A_126 = arith.select %eq3A_123, %get3A_118, %broadcast_in_dim3A_125 : vector<512x8xi1>, vector<512x8xi32>
      %reduce_max3A_127 = arith.constant dense<-2147483648> : vector<512xi32>
      %reduce_max3A_128 = vector.multi_reduction <maxsi>, %select_n3A_126, %reduce_max3A_127 [1] : vector<512x8xi32> to vector<512xi32>
      %broadcast_in_dim3A_129 = vector.shape_cast %reduce_max3A_128 : vector<512xi32> to vector<512x1xi32>
      %eq3A_130 = vector.broadcast %broadcast_in_dim3A_129 : vector<512x1xi32> to vector<512x8xi32>
      %eq3A_131 = arith.cmpi eq, %get3A_118, %eq3A_130 : vector<512x8xi32>
      %and3A = arith.andi %eq3A_123, %eq3A_131 : vector<512x8xi1>
      %lt3A = arith.cmpf olt, %get3A_101, %broadcast_in_dim3A_121 : vector<512x1xf32>
      %eq3A_132 = arith.cmpf oeq, %get3A_101, %broadcast_in_dim3A_121 : vector<512x1xf32>
      %lt3A_133 = arith.cmpi slt, %add3A_112, %broadcast_in_dim3A_129 : vector<512x1xi32>
      %and3A_134 = arith.andi %eq3A_132, %lt3A_133 : vector<512x1xi1>
      %or3A = arith.ori %lt3A, %and3A_134 : vector<512x1xi1>
      %and3A_135 = vector.broadcast %or3A : vector<512x1xi1> to vector<512x8xi1>
      %and3A_136 = arith.andi %and3A, %and3A_135 : vector<512x8xi1>
      %broadcast_in_dim3A_137 = vector.shape_cast %get3A_101 : vector<512x1xf32> to vector<512x1xf32>
      %broadcast_in_dim3A_138 = vector.broadcast %broadcast_in_dim3A_137 : vector<512x1xf32> to vector<512x8xf32>
      %select_n3A_139 = arith.select %and3A_136, %broadcast_in_dim3A_138, %get3A_115 : vector<512x8xi1>, vector<512x8xf32>
      %broadcast_in_dim3A_140 = vector.shape_cast %add3A_112 : vector<512x1xi32> to vector<512x1xi32>
      %broadcast_in_dim3A_141 = vector.broadcast %broadcast_in_dim3A_140 : vector<512x1xi32> to vector<512x8xi32>
      %select_n3A_142 = arith.select %and3A_136, %broadcast_in_dim3A_141, %get3A_118 : vector<512x8xi1>, vector<512x8xi32>
      %swap3A_143 = arith.constant 0 : index
      %swap3A_144 = arith.constant 0 : index
      %swap3A_145 = vector.load %arg7[%swap3A_143, %swap3A_144] : memref<512x8xf32, #tpu.memory_space<vmem>>, vector<512x8xf32>
      tpu.vector_store %arg7[%swap3A_143, %swap3A_144], %select_n3A_139 {strides = array<i32>} : memref<512x8xf32, #tpu.memory_space<vmem>>, vector<512x8xf32>,
      %swap3A_146 = arith.constant 0 : index
      %swap3A_147 = arith.constant 0 : index
      %swap3A_148 = vector.load %arg8[%swap3A_146, %swap3A_147] : memref<512x8xi32, #tpu.memory_space<vmem>>, vector<512x8xi32>
      tpu.vector_store %arg8[%swap3A_146, %swap3A_147], %select_n3A_142 {strides = array<i32>} : memref<512x8xi32, #tpu.memory_space<vmem>>, vector<512x8xi32>,
      %eq3A_149 = vector.broadcast %broadcast_in_dim3A_110 : vector<512x1xi32> to vector<512x4096xi32>
      %eq3A_150 = arith.cmpi eq, %iota3A, %eq3A_149 : vector<512x4096xi32>
      %jit3A_151 = arith.constant 1.000000e+30 : f32
      %broadcast_in_dim3A_152 = vector.broadcast %jit3A_151 : f32 to vector<512x4096xf32>
      %select_n3A_153 = arith.select %eq3A_150, %broadcast_in_dim3A_152, %get3A_104 : vector<512x4096xi1>, vector<512x4096xf32>
      %swap3A_154 = arith.constant 0 : index
      %swap3A_155 = arith.constant 0 : index
      %swap3A_156 = vector.load %arg9[%swap3A_154, %swap3A_155] : memref<512x4096xf32, #tpu.memory_space<vmem>>, vector<512x4096xf32>
      tpu.vector_store %arg9[%swap3A_154, %swap3A_155], %select_n3A_153 {strides = array<i32>} : memref<512x4096xf32, #tpu.memory_space<vmem>>, vector<512x4096xf32>,
      %reduce_min3A_157 = arith.constant dense<0x7F800000> : vector<512xf32>
      %reduce_min3A_158 = vector.multi_reduction <minimumf>, %select_n3A_153, %reduce_min3A_157 [1] : vector<512x4096xf32> to vector<512xf32>
      %broadcast_in_dim3A_159 = vector.shape_cast %reduce_min3A_158 : vector<512xf32> to vector<512x1xf32>
      %swap3A_160 = arith.constant 0 : index
      %swap3A_161 = arith.constant 0 : index
      %swap3A_162 = vector.load %arg10[%swap3A_160, %swap3A_161] : memref<512x1xf32, #tpu.memory_space<vmem>>, vector<512x1xf32>
      tpu.vector_store %arg10[%swap3A_160, %swap3A_161], %broadcast_in_dim3A_159 {strides = array<i32>} : memref<512x1xf32, #tpu.memory_space<vmem>>, vector<512x1xf32>,
      %reduce_max3A_163 = arith.constant dense<0xFF800000> : vector<512xf32>
      %reduce_max3A_164 = vector.multi_reduction <maximumf>, %select_n3A_139, %reduce_max3A_163 [1] : vector<512x8xf32> to vector<512xf32>
      %broadcast_in_dim3A_165 = vector.shape_cast %reduce_max3A_164 : vector<512xf32> to vector<512x1xf32>
      %le3A_166 = arith.cmpf ole, %broadcast_in_dim3A_159, %broadcast_in_dim3A_165 : vector<512x1xf32>
      %convert_element_type3A_167 = arith.extui %le3A_166 : vector<512x1xi1> to vector<512x1xi32>
      %reduce_max3A_168 = vector.shape_cast %convert_element_type3A_167 : vector<512x1xi32> to vector<1x512x1xi32>
      %reduce_max3A_169 = arith.constant dense<-2147483648> : vector<1xi32>
      %reduce_max3A_170 = vector.multi_reduction <maxsi>, %reduce_max3A_168, %reduce_max3A_169 [1, 2] : vector<1x512x1xi32> to vector<1xi32>
      %reduce_max3A_171 = vector.shape_cast %reduce_max3A_170 : vector<1xi32> to vector<1x1x1xi32>
      %reduce_max3A_172 = vector.extract %reduce_max3A_171[0, 0, 0] : i32 from vector<1x1x1xi32>
      %swap3A_173 = arith.constant 0 : index
      %swap3A_174 = memref.load %arg11[%swap3A_173] : memref<1xi32, #tpu.memory_space<smem>>
      memref.store %reduce_max3A_172, %arg11[%swap3A_173] : memref<1xi32, #tpu.memory_space<smem>>
    } else {
    }
    %get3A_87 = arith.constant 0 : index
    %get3A_88 = memref.load %arg11[%get3A_87] : memref<1xi32, #tpu.memory_space<smem>>
    %ne3A_89 = arith.constant 0 : i32
    %ne3A_90 = arith.cmpi ne, %get3A_88, %ne3A_89 : i32
    %convert_element_type3A_91 = arith.extui %ne3A_90 : i1 to i32
    %cond3A_92 = arith.constant 0 : i32
    %cond3A_93 = arith.cmpi ne, %convert_element_type3A_91, %cond3A_92 : i32
    scf.if %cond3A_93 {
      %get3A_99 = arith.constant 0 : index
      %get3A_100 = arith.constant 0 : index
      %get3A_101 = vector.load %arg10[%get3A_99, %get3A_100] : memref<512x1xf32, #tpu.memory_space<vmem>>, vector<512x1xf32>
      %get3A_102 = arith.constant 0 : index
      %get3A_103 = arith.constant 0 : index
      %get3A_104 = vector.load %arg9[%get3A_102, %get3A_103] : memref<512x4096xf32, #tpu.memory_space<vmem>>, vector<512x4096xf32>
      %le3A_105 = vector.broadcast %get3A_101 : vector<512x1xf32> to vector<512x4096xf32>
      %le3A_106 = arith.cmpf ole, %get3A_104, %le3A_105 : vector<512x4096xf32>
      %jit3A = arith.constant 1073741824 : i32
      %broadcast_in_dim3A_107 = vector.broadcast %jit3A : i32 to vector<512x4096xi32>
      %select_n3A = arith.select %le3A_106, %iota3A, %broadcast_in_dim3A_107 : vector<512x4096xi1>, vector<512x4096xi32>
      %reduce_min3A_108 = arith.constant dense<2147483647> : vector<512xi32>
      %reduce_min3A_109 = vector.multi_reduction <minsi>, %select_n3A, %reduce_min3A_108 [1] : vector<512x4096xi32> to vector<512xi32>
      %broadcast_in_dim3A_110 = vector.shape_cast %reduce_min3A_109 : vector<512xi32> to vector<512x1xi32>
      %add3A_111 = vector.broadcast %mul3A_38 : i32 to vector<512x1xi32>
      %add3A_112 = arith.addi %add3A_111, %broadcast_in_dim3A_110 : vector<512x1xi32>
      %get3A_113 = arith.constant 0 : index
      %get3A_114 = arith.constant 0 : index
      %get3A_115 = vector.load %arg7[%get3A_113, %get3A_114] : memref<512x8xf32, #tpu.memory_space<vmem>>, vector<512x8xf32>
      %get3A_116 = arith.constant 0 : index
      %get3A_117 = arith.constant 0 : index
      %get3A_118 = vector.load %arg8[%get3A_116, %get3A_117] : memref<512x8xi32, #tpu.memory_space<vmem>>, vector<512x8xi32>
      %reduce_max3A_119 = arith.constant dense<0xFF800000> : vector<512xf32>
      %reduce_max3A_120 = vector.multi_reduction <maximumf>, %get3A_115, %reduce_max3A_119 [1] : vector<512x8xf32> to vector<512xf32>
      %broadcast_in_dim3A_121 = vector.shape_cast %reduce_max3A_120 : vector<512xf32> to vector<512x1xf32>
      %eq3A_122 = vector.broadcast %broadcast_in_dim3A_121 : vector<512x1xf32> to vector<512x8xf32>
      %eq3A_123 = arith.cmpf oeq, %get3A_115, %eq3A_122 : vector<512x8xf32>
      %jit3A_124 = arith.constant -1 : i32
      %broadcast_in_dim3A_125 = vector.broadcast %jit3A_124 : i32 to vector<512x8xi32>
      %select_n3A_126 = arith.select %eq3A_123, %get3A_118, %broadcast_in_dim3A_125 : vector<512x8xi1>, vector<512x8xi32>
      %reduce_max3A_127 = arith.constant dense<-2147483648> : vector<512xi32>
      %reduce_max3A_128 = vector.multi_reduction <maxsi>, %select_n3A_126, %reduce_max3A_127 [1] : vector<512x8xi32> to vector<512xi32>
      %broadcast_in_dim3A_129 = vector.shape_cast %reduce_max3A_128 : vector<512xi32> to vector<512x1xi32>
      %eq3A_130 = vector.broadcast %broadcast_in_dim3A_129 : vector<512x1xi32> to vector<512x8xi32>
      %eq3A_131 = arith.cmpi eq, %get3A_118, %eq3A_130 : vector<512x8xi32>
      %and3A = arith.andi %eq3A_123, %eq3A_131 : vector<512x8xi1>
      %lt3A = arith.cmpf olt, %get3A_101, %broadcast_in_dim3A_121 : vector<512x1xf32>
      %eq3A_132 = arith.cmpf oeq, %get3A_101, %broadcast_in_dim3A_121 : vector<512x1xf32>
      %lt3A_133 = arith.cmpi slt, %add3A_112, %broadcast_in_dim3A_129 : vector<512x1xi32>
      %and3A_134 = arith.andi %eq3A_132, %lt3A_133 : vector<512x1xi1>
      %or3A = arith.ori %lt3A, %and3A_134 : vector<512x1xi1>
      %and3A_135 = vector.broadcast %or3A : vector<512x1xi1> to vector<512x8xi1>
      %and3A_136 = arith.andi %and3A, %and3A_135 : vector<512x8xi1>
      %broadcast_in_dim3A_137 = vector.shape_cast %get3A_101 : vector<512x1xf32> to vector<512x1xf32>
      %broadcast_in_dim3A_138 = vector.broadcast %broadcast_in_dim3A_137 : vector<512x1xf32> to vector<512x8xf32>
      %select_n3A_139 = arith.select %and3A_136, %broadcast_in_dim3A_138, %get3A_115 : vector<512x8xi1>, vector<512x8xf32>
      %broadcast_in_dim3A_140 = vector.shape_cast %add3A_112 : vector<512x1xi32> to vector<512x1xi32>
      %broadcast_in_dim3A_141 = vector.broadcast %broadcast_in_dim3A_140 : vector<512x1xi32> to vector<512x8xi32>
      %select_n3A_142 = arith.select %and3A_136, %broadcast_in_dim3A_141, %get3A_118 : vector<512x8xi1>, vector<512x8xi32>
      %swap3A_143 = arith.constant 0 : index
      %swap3A_144 = arith.constant 0 : index
      %swap3A_145 = vector.load %arg7[%swap3A_143, %swap3A_144] : memref<512x8xf32, #tpu.memory_space<vmem>>, vector<512x8xf32>
      tpu.vector_store %arg7[%swap3A_143, %swap3A_144], %select_n3A_139 {strides = array<i32>} : memref<512x8xf32, #tpu.memory_space<vmem>>, vector<512x8xf32>,
      %swap3A_146 = arith.constant 0 : index
      %swap3A_147 = arith.constant 0 : index
      %swap3A_148 = vector.load %arg8[%swap3A_146, %swap3A_147] : memref<512x8xi32, #tpu.memory_space<vmem>>, vector<512x8xi32>
      tpu.vector_store %arg8[%swap3A_146, %swap3A_147], %select_n3A_142 {strides = array<i32>} : memref<512x8xi32, #tpu.memory_space<vmem>>, vector<512x8xi32>,
      %eq3A_149 = vector.broadcast %broadcast_in_dim3A_110 : vector<512x1xi32> to vector<512x4096xi32>
      %eq3A_150 = arith.cmpi eq, %iota3A, %eq3A_149 : vector<512x4096xi32>
      %jit3A_151 = arith.constant 1.000000e+30 : f32
      %broadcast_in_dim3A_152 = vector.broadcast %jit3A_151 : f32 to vector<512x4096xf32>
      %select_n3A_153 = arith.select %eq3A_150, %broadcast_in_dim3A_152, %get3A_104 : vector<512x4096xi1>, vector<512x4096xf32>
      %swap3A_154 = arith.constant 0 : index
      %swap3A_155 = arith.constant 0 : index
      %swap3A_156 = vector.load %arg9[%swap3A_154, %swap3A_155] : memref<512x4096xf32, #tpu.memory_space<vmem>>, vector<512x4096xf32>
      tpu.vector_store %arg9[%swap3A_154, %swap3A_155], %select_n3A_153 {strides = array<i32>} : memref<512x4096xf32, #tpu.memory_space<vmem>>, vector<512x4096xf32>,
      %reduce_min3A_157 = arith.constant dense<0x7F800000> : vector<512xf32>
      %reduce_min3A_158 = vector.multi_reduction <minimumf>, %select_n3A_153, %reduce_min3A_157 [1] : vector<512x4096xf32> to vector<512xf32>
      %broadcast_in_dim3A_159 = vector.shape_cast %reduce_min3A_158 : vector<512xf32> to vector<512x1xf32>
      %swap3A_160 = arith.constant 0 : index
      %swap3A_161 = arith.constant 0 : index
      %swap3A_162 = vector.load %arg10[%swap3A_160, %swap3A_161] : memref<512x1xf32, #tpu.memory_space<vmem>>, vector<512x1xf32>
      tpu.vector_store %arg10[%swap3A_160, %swap3A_161], %broadcast_in_dim3A_159 {strides = array<i32>} : memref<512x1xf32, #tpu.memory_space<vmem>>, vector<512x1xf32>,
      %reduce_max3A_163 = arith.constant dense<0xFF800000> : vector<512xf32>
      %reduce_max3A_164 = vector.multi_reduction <maximumf>, %select_n3A_139, %reduce_max3A_163 [1] : vector<512x8xf32> to vector<512xf32>
      %broadcast_in_dim3A_165 = vector.shape_cast %reduce_max3A_164 : vector<512xf32> to vector<512x1xf32>
      %le3A_166 = arith.cmpf ole, %broadcast_in_dim3A_159, %broadcast_in_dim3A_165 : vector<512x1xf32>
      %convert_element_type3A_167 = arith.extui %le3A_166 : vector<512x1xi1> to vector<512x1xi32>
      %reduce_max3A_168 = vector.shape_cast %convert_element_type3A_167 : vector<512x1xi32> to vector<1x512x1xi32>
      %reduce_max3A_169 = arith.constant dense<-2147483648> : vector<1xi32>
      %reduce_max3A_170 = vector.multi_reduction <maxsi>, %reduce_max3A_168, %reduce_max3A_169 [1, 2] : vector<1x512x1xi32> to vector<1xi32>
      %reduce_max3A_171 = vector.shape_cast %reduce_max3A_170 : vector<1xi32> to vector<1x1x1xi32>
      %reduce_max3A_172 = vector.extract %reduce_max3A_171[0, 0, 0] : i32 from vector<1x1x1xi32>
      %swap3A_173 = arith.constant 0 : index
      %swap3A_174 = memref.load %arg11[%swap3A_173] : memref<1xi32, #tpu.memory_space<smem>>
      memref.store %reduce_max3A_172, %arg11[%swap3A_173] : memref<1xi32, #tpu.memory_space<smem>>
    } else {
    }
    %eq3A_94 = arith.constant 24 : i32
    %eq3A_95 = arith.cmpi eq, %arg1, %eq3A_94 : i32
    %convert_element_type3A_96 = arith.extui %eq3A_95 : i1 to i32
    %cond3A_97 = arith.constant 0 : i32
    %cond3A_98 = arith.cmpi ne, %convert_element_type3A_96, %cond3A_97 : i32
    scf.if %cond3A_98 {
      %get3A_99 = arith.constant 0 : index
      %get3A_100 = arith.constant 0 : index
      %get3A_101 = vector.load %arg7[%get3A_99, %get3A_100] : memref<512x8xf32, #tpu.memory_space<vmem>>, vector<512x8xf32>
      %get3A_102 = arith.constant 0 : index
      %get3A_103 = arith.constant 0 : index
      %get3A_104 = vector.load %arg8[%get3A_102, %get3A_103] : memref<512x8xi32, #tpu.memory_space<vmem>>, vector<512x8xi32>
      %reduce_min3A_105 = arith.constant dense<0x7F800000> : vector<512xf32>
      %reduce_min3A_106 = vector.multi_reduction <minimumf>, %get3A_101, %reduce_min3A_105 [1] : vector<512x8xf32> to vector<512xf32>
      %broadcast_in_dim3A_107 = vector.shape_cast %reduce_min3A_106 : vector<512xf32> to vector<512x1xf32>
      %le3A_108 = vector.broadcast %broadcast_in_dim3A_107 : vector<512x1xf32> to vector<512x8xf32>
      %le3A_109 = arith.cmpf ole, %get3A_101, %le3A_108 : vector<512x8xf32>
      %jit3A = arith.constant 1073741824 : i32
      %broadcast_in_dim3A_110 = vector.broadcast %jit3A : i32 to vector<512x8xi32>
      %select_n3A = arith.select %le3A_109, %get3A_104, %broadcast_in_dim3A_110 : vector<512x8xi1>, vector<512x8xi32>
      %reduce_min3A_111 = arith.constant dense<2147483647> : vector<512xi32>
      %reduce_min3A_112 = vector.multi_reduction <minsi>, %select_n3A, %reduce_min3A_111 [1] : vector<512x8xi32> to vector<512xi32>
      %broadcast_in_dim3A_113 = vector.shape_cast %reduce_min3A_112 : vector<512xi32> to vector<512x1xi32>
      %le3A_114 = vector.broadcast %broadcast_in_dim3A_107 : vector<512x1xf32> to vector<512x8xf32>
      %le3A_115 = arith.cmpf ole, %get3A_101, %le3A_114 : vector<512x8xf32>
      %eq3A_116 = vector.broadcast %broadcast_in_dim3A_113 : vector<512x1xi32> to vector<512x8xi32>
      %eq3A_117 = arith.cmpi eq, %get3A_104, %eq3A_116 : vector<512x8xi32>
      %and3A = arith.andi %le3A_115, %eq3A_117 : vector<512x8xi1>
      %jit3A_118 = arith.constant 1.000000e+30 : f32
      %broadcast_in_dim3A_119 = vector.broadcast %jit3A_118 : f32 to vector<512x8xf32>
      %select_n3A_120 = arith.select %and3A, %broadcast_in_dim3A_119, %get3A_101 : vector<512x8xi1>, vector<512x8xf32>
      %reduce_min3A_121 = arith.constant dense<0x7F800000> : vector<512xf32>
      %reduce_min3A_122 = vector.multi_reduction <minimumf>, %select_n3A_120, %reduce_min3A_121 [1] : vector<512x8xf32> to vector<512xf32>
      %broadcast_in_dim3A_123 = vector.shape_cast %reduce_min3A_122 : vector<512xf32> to vector<512x1xf32>
      %le3A_124 = vector.broadcast %broadcast_in_dim3A_123 : vector<512x1xf32> to vector<512x8xf32>
      %le3A_125 = arith.cmpf ole, %select_n3A_120, %le3A_124 : vector<512x8xf32>
      %jit3A_126 = arith.constant 1073741824 : i32
      %broadcast_in_dim3A_127 = vector.broadcast %jit3A_126 : i32 to vector<512x8xi32>
      %select_n3A_128 = arith.select %le3A_125, %get3A_104, %broadcast_in_dim3A_127 : vector<512x8xi1>, vector<512x8xi32>
      %reduce_min3A_129 = arith.constant dense<2147483647> : vector<512xi32>
      %reduce_min3A_130 = vector.multi_reduction <minsi>, %select_n3A_128, %reduce_min3A_129 [1] : vector<512x8xi32> to vector<512xi32>
      %broadcast_in_dim3A_131 = vector.shape_cast %reduce_min3A_130 : vector<512xi32> to vector<512x1xi32>
      %le3A_132 = vector.broadcast %broadcast_in_dim3A_123 : vector<512x1xf32> to vector<512x8xf32>
      %le3A_133 = arith.cmpf ole, %select_n3A_120, %le3A_132 : vector<512x8xf32>
      %eq3A_134 = vector.broadcast %broadcast_in_dim3A_131 : vector<512x1xi32> to vector<512x8xi32>
      %eq3A_135 = arith.cmpi eq, %get3A_104, %eq3A_134 : vector<512x8xi32>
      %and3A_136 = arith.andi %le3A_133, %eq3A_135 : vector<512x8xi1>
      %jit3A_137 = arith.constant 1.000000e+30 : f32
      %broadcast_in_dim3A_138 = vector.broadcast %jit3A_137 : f32 to vector<512x8xf32>
      %select_n3A_139 = arith.select %and3A_136, %broadcast_in_dim3A_138, %select_n3A_120 : vector<512x8xi1>, vector<512x8xf32>
      %reduce_min3A_140 = arith.constant dense<0x7F800000> : vector<512xf32>
      %reduce_min3A_141 = vector.multi_reduction <minimumf>, %select_n3A_139, %reduce_min3A_140 [1] : vector<512x8xf32> to vector<512xf32>
      %broadcast_in_dim3A_142 = vector.shape_cast %reduce_min3A_141 : vector<512xf32> to vector<512x1xf32>
      %le3A_143 = vector.broadcast %broadcast_in_dim3A_142 : vector<512x1xf32> to vector<512x8xf32>
      %le3A_144 = arith.cmpf ole, %select_n3A_139, %le3A_143 : vector<512x8xf32>
      %jit3A_145 = arith.constant 1073741824 : i32
      %broadcast_in_dim3A_146 = vector.broadcast %jit3A_145 : i32 to vector<512x8xi32>
      %select_n3A_147 = arith.select %le3A_144, %get3A_104, %broadcast_in_dim3A_146 : vector<512x8xi1>, vector<512x8xi32>
      %reduce_min3A_148 = arith.constant dense<2147483647> : vector<512xi32>
      %reduce_min3A_149 = vector.multi_reduction <minsi>, %select_n3A_147, %reduce_min3A_148 [1] : vector<512x8xi32> to vector<512xi32>
      %broadcast_in_dim3A_150 = vector.shape_cast %reduce_min3A_149 : vector<512xi32> to vector<512x1xi32>
      %le3A_151 = vector.broadcast %broadcast_in_dim3A_142 : vector<512x1xf32> to vector<512x8xf32>
      %le3A_152 = arith.cmpf ole, %select_n3A_139, %le3A_151 : vector<512x8xf32>
      %eq3A_153 = vector.broadcast %broadcast_in_dim3A_150 : vector<512x1xi32> to vector<512x8xi32>
      %eq3A_154 = arith.cmpi eq, %get3A_104, %eq3A_153 : vector<512x8xi32>
      %and3A_155 = arith.andi %le3A_152, %eq3A_154 : vector<512x8xi1>
      %jit3A_156 = arith.constant 1.000000e+30 : f32
      %broadcast_in_dim3A_157 = vector.broadcast %jit3A_156 : f32 to vector<512x8xf32>
      %select_n3A_158 = arith.select %and3A_155, %broadcast_in_dim3A_157, %select_n3A_139 : vector<512x8xi1>, vector<512x8xf32>
      %reduce_min3A_159 = arith.constant dense<0x7F800000> : vector<512xf32>
      %reduce_min3A_160 = vector.multi_reduction <minimumf>, %select_n3A_158, %reduce_min3A_159 [1] : vector<512x8xf32> to vector<512xf32>
      %broadcast_in_dim3A_161 = vector.shape_cast %reduce_min3A_160 : vector<512xf32> to vector<512x1xf32>
      %le3A_162 = vector.broadcast %broadcast_in_dim3A_161 : vector<512x1xf32> to vector<512x8xf32>
      %le3A_163 = arith.cmpf ole, %select_n3A_158, %le3A_162 : vector<512x8xf32>
      %jit3A_164 = arith.constant 1073741824 : i32
      %broadcast_in_dim3A_165 = vector.broadcast %jit3A_164 : i32 to vector<512x8xi32>
      %select_n3A_166 = arith.select %le3A_163, %get3A_104, %broadcast_in_dim3A_165 : vector<512x8xi1>, vector<512x8xi32>
      %reduce_min3A_167 = arith.constant dense<2147483647> : vector<512xi32>
      %reduce_min3A_168 = vector.multi_reduction <minsi>, %select_n3A_166, %reduce_min3A_167 [1] : vector<512x8xi32> to vector<512xi32>
      %broadcast_in_dim3A_169 = vector.shape_cast %reduce_min3A_168 : vector<512xi32> to vector<512x1xi32>
      %le3A_170 = vector.broadcast %broadcast_in_dim3A_161 : vector<512x1xf32> to vector<512x8xf32>
      %le3A_171 = arith.cmpf ole, %select_n3A_158, %le3A_170 : vector<512x8xf32>
      %eq3A_172 = vector.broadcast %broadcast_in_dim3A_169 : vector<512x1xi32> to vector<512x8xi32>
      %eq3A_173 = arith.cmpi eq, %get3A_104, %eq3A_172 : vector<512x8xi32>
      %and3A_174 = arith.andi %le3A_171, %eq3A_173 : vector<512x8xi1>
      %jit3A_175 = arith.constant 1.000000e+30 : f32
      %broadcast_in_dim3A_176 = vector.broadcast %jit3A_175 : f32 to vector<512x8xf32>
      %select_n3A_177 = arith.select %and3A_174, %broadcast_in_dim3A_176, %select_n3A_158 : vector<512x8xi1>, vector<512x8xf32>
      %reduce_min3A_178 = arith.constant dense<0x7F800000> : vector<512xf32>
      %reduce_min3A_179 = vector.multi_reduction <minimumf>, %select_n3A_177, %reduce_min3A_178 [1] : vector<512x8xf32> to vector<512xf32>
      %broadcast_in_dim3A_180 = vector.shape_cast %reduce_min3A_179 : vector<512xf32> to vector<512x1xf32>
      %le3A_181 = vector.broadcast %broadcast_in_dim3A_180 : vector<512x1xf32> to vector<512x8xf32>
      %le3A_182 = arith.cmpf ole, %select_n3A_177, %le3A_181 : vector<512x8xf32>
      %jit3A_183 = arith.constant 1073741824 : i32
      %broadcast_in_dim3A_184 = vector.broadcast %jit3A_183 : i32 to vector<512x8xi32>
      %select_n3A_185 = arith.select %le3A_182, %get3A_104, %broadcast_in_dim3A_184 : vector<512x8xi1>, vector<512x8xi32>
      %reduce_min3A_186 = arith.constant dense<2147483647> : vector<512xi32>
      %reduce_min3A_187 = vector.multi_reduction <minsi>, %select_n3A_185, %reduce_min3A_186 [1] : vector<512x8xi32> to vector<512xi32>
      %broadcast_in_dim3A_188 = vector.shape_cast %reduce_min3A_187 : vector<512xi32> to vector<512x1xi32>
      %le3A_189 = vector.broadcast %broadcast_in_dim3A_180 : vector<512x1xf32> to vector<512x8xf32>
      %le3A_190 = arith.cmpf ole, %select_n3A_177, %le3A_189 : vector<512x8xf32>
      %eq3A_191 = vector.broadcast %broadcast_in_dim3A_188 : vector<512x1xi32> to vector<512x8xi32>
      %eq3A_192 = arith.cmpi eq, %get3A_104, %eq3A_191 : vector<512x8xi32>
      %and3A_193 = arith.andi %le3A_190, %eq3A_192 : vector<512x8xi1>
      %jit3A_194 = arith.constant 1.000000e+30 : f32
      %broadcast_in_dim3A_195 = vector.broadcast %jit3A_194 : f32 to vector<512x8xf32>
      %select_n3A_196 = arith.select %and3A_193, %broadcast_in_dim3A_195, %select_n3A_177 : vector<512x8xi1>, vector<512x8xf32>
      %reduce_min3A_197 = arith.constant dense<0x7F800000> : vector<512xf32>
      %reduce_min3A_198 = vector.multi_reduction <minimumf>, %select_n3A_196, %reduce_min3A_197 [1] : vector<512x8xf32> to vector<512xf32>
      %broadcast_in_dim3A_199 = vector.shape_cast %reduce_min3A_198 : vector<512xf32> to vector<512x1xf32>
      %le3A_200 = vector.broadcast %broadcast_in_dim3A_199 : vector<512x1xf32> to vector<512x8xf32>
      %le3A_201 = arith.cmpf ole, %select_n3A_196, %le3A_200 : vector<512x8xf32>
      %jit3A_202 = arith.constant 1073741824 : i32
      %broadcast_in_dim3A_203 = vector.broadcast %jit3A_202 : i32 to vector<512x8xi32>
      %select_n3A_204 = arith.select %le3A_201, %get3A_104, %broadcast_in_dim3A_203 : vector<512x8xi1>, vector<512x8xi32>
      %reduce_min3A_205 = arith.constant dense<2147483647> : vector<512xi32>
      %reduce_min3A_206 = vector.multi_reduction <minsi>, %select_n3A_204, %reduce_min3A_205 [1] : vector<512x8xi32> to vector<512xi32>
      %broadcast_in_dim3A_207 = vector.shape_cast %reduce_min3A_206 : vector<512xi32> to vector<512x1xi32>
      %le3A_208 = vector.broadcast %broadcast_in_dim3A_199 : vector<512x1xf32> to vector<512x8xf32>
      %le3A_209 = arith.cmpf ole, %select_n3A_196, %le3A_208 : vector<512x8xf32>
      %eq3A_210 = vector.broadcast %broadcast_in_dim3A_207 : vector<512x1xi32> to vector<512x8xi32>
      %eq3A_211 = arith.cmpi eq, %get3A_104, %eq3A_210 : vector<512x8xi32>
      %and3A_212 = arith.andi %le3A_209, %eq3A_211 : vector<512x8xi1>
      %jit3A_213 = arith.constant 1.000000e+30 : f32
      %broadcast_in_dim3A_214 = vector.broadcast %jit3A_213 : f32 to vector<512x8xf32>
      %select_n3A_215 = arith.select %and3A_212, %broadcast_in_dim3A_214, %select_n3A_196 : vector<512x8xi1>, vector<512x8xf32>
      %reduce_min3A_216 = arith.constant dense<0x7F800000> : vector<512xf32>
      %reduce_min3A_217 = vector.multi_reduction <minimumf>, %select_n3A_215, %reduce_min3A_216 [1] : vector<512x8xf32> to vector<512xf32>
      %broadcast_in_dim3A_218 = vector.shape_cast %reduce_min3A_217 : vector<512xf32> to vector<512x1xf32>
      %le3A_219 = vector.broadcast %broadcast_in_dim3A_218 : vector<512x1xf32> to vector<512x8xf32>
      %le3A_220 = arith.cmpf ole, %select_n3A_215, %le3A_219 : vector<512x8xf32>
      %jit3A_221 = arith.constant 1073741824 : i32
      %broadcast_in_dim3A_222 = vector.broadcast %jit3A_221 : i32 to vector<512x8xi32>
      %select_n3A_223 = arith.select %le3A_220, %get3A_104, %broadcast_in_dim3A_222 : vector<512x8xi1>, vector<512x8xi32>
      %reduce_min3A_224 = arith.constant dense<2147483647> : vector<512xi32>
      %reduce_min3A_225 = vector.multi_reduction <minsi>, %select_n3A_223, %reduce_min3A_224 [1] : vector<512x8xi32> to vector<512xi32>
      %broadcast_in_dim3A_226 = vector.shape_cast %reduce_min3A_225 : vector<512xi32> to vector<512x1xi32>
      %le3A_227 = vector.broadcast %broadcast_in_dim3A_218 : vector<512x1xf32> to vector<512x8xf32>
      %le3A_228 = arith.cmpf ole, %select_n3A_215, %le3A_227 : vector<512x8xf32>
      %eq3A_229 = vector.broadcast %broadcast_in_dim3A_226 : vector<512x1xi32> to vector<512x8xi32>
      %eq3A_230 = arith.cmpi eq, %get3A_104, %eq3A_229 : vector<512x8xi32>
      %and3A_231 = arith.andi %le3A_228, %eq3A_230 : vector<512x8xi1>
      %jit3A_232 = arith.constant 1.000000e+30 : f32
      %broadcast_in_dim3A_233 = vector.broadcast %jit3A_232 : f32 to vector<512x8xf32>
      %select_n3A_234 = arith.select %and3A_231, %broadcast_in_dim3A_233, %select_n3A_215 : vector<512x8xi1>, vector<512x8xf32>
      %reduce_min3A_235 = arith.constant dense<0x7F800000> : vector<512xf32>
      %reduce_min3A_236 = vector.multi_reduction <minimumf>, %select_n3A_234, %reduce_min3A_235 [1] : vector<512x8xf32> to vector<512xf32>
      %broadcast_in_dim3A_237 = vector.shape_cast %reduce_min3A_236 : vector<512xf32> to vector<512x1xf32>
      %le3A_238 = vector.broadcast %broadcast_in_dim3A_237 : vector<512x1xf32> to vector<512x8xf32>
      %le3A_239 = arith.cmpf ole, %select_n3A_234, %le3A_238 : vector<512x8xf32>
      %jit3A_240 = arith.constant 1073741824 : i32
      %broadcast_in_dim3A_241 = vector.broadcast %jit3A_240 : i32 to vector<512x8xi32>
      %select_n3A_242 = arith.select %le3A_239, %get3A_104, %broadcast_in_dim3A_241 : vector<512x8xi1>, vector<512x8xi32>
      %reduce_min3A_243 = arith.constant dense<2147483647> : vector<512xi32>
      %reduce_min3A_244 = vector.multi_reduction <minsi>, %select_n3A_242, %reduce_min3A_243 [1] : vector<512x8xi32> to vector<512xi32>
      %broadcast_in_dim3A_245 = vector.shape_cast %reduce_min3A_244 : vector<512xi32> to vector<512x1xi32>
      %concatenate3A = tpu.concatenate %broadcast_in_dim3A_113, %broadcast_in_dim3A_131, %broadcast_in_dim3A_150, %broadcast_in_dim3A_169, %broadcast_in_dim3A_188, %broadcast_in_dim3A_207, %broadcast_in_dim3A_226, %broadcast_in_dim3A_245 in 1 : vector<512x1xi32>, vector<512x1xi32>, vector<512x1xi32>, vector<512x1xi32>, vector<512x1xi32>, vector<512x1xi32>, vector<512x1xi32>, vector<512x1xi32> -> vector<512x8xi32>
      %swap3A_246 = arith.constant 0 : index
      %swap3A_247 = arith.constant 0 : index
      %swap3A_248 = vector.load %arg6[%swap3A_246, %swap3A_247] : memref<512x8xi32, #tpu.memory_space<vmem>>, vector<512x8xi32>
      tpu.vector_store %arg6[%swap3A_246, %swap3A_247], %concatenate3A {strides = array<i32>} : memref<512x8xi32, #tpu.memory_space<vmem>>, vector<512x8xi32>,
    } else {
    }
    return
  }
  func.func @transform_0(%arg0: i32, %arg1: i32) -> (i32, i32) {
    %c0_i32 = arith.constant 0 : i32
    %c0_i32_0 = arith.constant 0 : i32
    return %arg0, %c0_i32 : i32, i32
  }
  func.func @transform_1(%arg0: i32, %arg1: i32) -> (i32, i32) {
    %c0_i32 = arith.constant 0 : i32
    %c0_i32_0 = arith.constant 0 : i32
    return %c0_i32, %arg1 : i32, i32
  }
  func.func @transform_2(%arg0: i32, %arg1: i32) -> (i32, i32) {
    %c0_i32 = arith.constant 0 : i32
    %c0_i32_0 = arith.constant 0 : i32
    return %arg0, %c0_i32 : i32, i32
  }
  func.func @transform_3(%arg0: i32, %arg1: i32) -> (i32, i32) {
    %c0_i32 = arith.constant 0 : i32
    %c0_i32_0 = arith.constant 0 : i32
    return %c0_i32, %arg1 : i32, i32
  }
  func.func @transform_4(%arg0: i32, %arg1: i32) -> (i32, i32) {
    %c0_i32 = arith.constant 0 : i32
    %c0_i32_0 = arith.constant 0 : i32
    return %arg0, %c0_i32 : i32, i32
  }
}

module attributes {stable_mosaic.version = 14 : i64} {
  func.func @_tail_body(%arg0: memref<1024x256xf32, #tpu.memory_space<vmem>>, %arg1: memref<8192x256xf32, #tpu.memory_space<vmem>>, %arg2: memref<256x256xf32, #tpu.memory_space<vmem>>, %arg3: memref<256x256xf32, #tpu.memory_space<vmem>>, %arg4: memref<256x256xf32, #tpu.memory_space<vmem>>, %arg5: memref<256x8xf32, #tpu.memory_space<vmem>>, %arg6: memref<1x8xf32, #tpu.memory_space<vmem>>, %arg7: memref<1x256xf32, #tpu.memory_space<vmem>>, %arg8: memref<1x256xf32, #tpu.memory_space<vmem>>, %arg9: memref<1024x256xf32, #tpu.memory_space<vmem>>) attributes {dimension_semantics = [], scalar_prefetch = 0 : i64, scratch_operands = 0 : i64, tpu.core_type = #tpu.core_type<tc>} {
    %get3A = arith.constant 0 : index
    %get3A_0 = arith.constant 0 : index
    %get3A_1 = vector.load %arg0[%get3A, %get3A_0] : memref<1024x256xf32, #tpu.memory_space<vmem>>, vector<1024x256xf32>
    %get3A_2 = arith.constant 0 : index
    %get3A_3 = arith.constant 0 : index
    %get3A_4 = vector.load %arg2[%get3A_2, %get3A_3] : memref<256x256xf32, #tpu.memory_space<vmem>>, vector<256x256xf32>
    %dot_general3A = arith.constant dense<0.000000e+00> : vector<1024x256xf32>
    %dot_general3A_5 = tpu.matmul %get3A_1, %get3A_4, %dot_general3A {dimension_numbers = #tpu.dot_dimension_numbers<[1], [0], [0], [1], [0, 0, 1, 1], [], []>, transpose_lhs_hint = false} : vector<1024x256xf32>, vector<256x256xf32>, vector<1024x256xf32> -> vector<1024x256xf32>
    %get3A_6 = arith.constant 0 : index
    %get3A_7 = arith.constant 0 : index
    %get3A_8 = vector.load %arg1[%get3A_6, %get3A_7] : memref<8192x256xf32, #tpu.memory_space<vmem>>, vector<8192x256xf32>
    %get3A_9 = arith.constant 0 : index
    %get3A_10 = arith.constant 0 : index
    %get3A_11 = vector.load %arg3[%get3A_9, %get3A_10] : memref<256x256xf32, #tpu.memory_space<vmem>>, vector<256x256xf32>
    %dot_general3A_12 = arith.constant dense<0.000000e+00> : vector<8192x256xf32>
    %dot_general3A_13 = tpu.matmul %get3A_8, %get3A_11, %dot_general3A_12 {dimension_numbers = #tpu.dot_dimension_numbers<[1], [0], [0], [1], [0, 0, 1, 1], [], []>, transpose_lhs_hint = false} : vector<8192x256xf32>, vector<256x256xf32>, vector<8192x256xf32> -> vector<8192x256xf32>
    %get3A_14 = arith.constant 0 : index
    %get3A_15 = arith.constant 0 : index
    %get3A_16 = vector.load %arg5[%get3A_14, %get3A_15] : memref<256x8xf32, #tpu.memory_space<vmem>>, vector<256x8xf32>
    %dot_general3A_17 = arith.constant dense<0.000000e+00> : vector<1024x8xf32>
    %dot_general3A_18 = tpu.matmul %dot_general3A_5, %get3A_16, %dot_general3A_17 {dimension_numbers = #tpu.dot_dimension_numbers<[1], [0], [0], [1], [0, 0, 1, 1], [], []>, transpose_lhs_hint = false} : vector<1024x256xf32>, vector<256x8xf32>, vector<1024x8xf32> -> vector<1024x8xf32>
    %get3A_19 = arith.constant 0 : index
    %get3A_20 = arith.constant 0 : index
    %get3A_21 = vector.load %arg6[%get3A_19, %get3A_20] : memref<1x8xf32, #tpu.memory_space<vmem>>, vector<1x8xf32>
    %add3A = vector.broadcast %get3A_21 : vector<1x8xf32> to vector<1024x8xf32>
    %add3A_22 = arith.addf %dot_general3A_18, %add3A : vector<1024x8xf32>
    %reduce_max3A = arith.constant dense<0xFF800000> : vector<1024xf32>
    %reduce_max3A_23 = vector.multi_reduction <maximumf>, %add3A_22, %reduce_max3A [1] : vector<1024x8xf32> to vector<1024xf32>
    %broadcast_in_dim3A = vector.shape_cast %reduce_max3A_23 : vector<1024xf32> to vector<1024x1xf32>
    %sub3A = vector.broadcast %broadcast_in_dim3A : vector<1024x1xf32> to vector<1024x8xf32>
    %sub3A_24 = arith.subf %add3A_22, %sub3A : vector<1024x8xf32>
    %exp3A = math.exp %sub3A_24 : vector<1024x8xf32>
    %reduce_sum3A = arith.constant dense<0.000000e+00> : vector<1024xf32>
    %reduce_sum3A_25 = vector.multi_reduction <add>, %exp3A, %reduce_sum3A [1] : vector<1024x8xf32> to vector<1024xf32>
    %broadcast_in_dim3A_26 = vector.shape_cast %reduce_sum3A_25 : vector<1024xf32> to vector<1024x1xf32>
    %div3A = vector.broadcast %broadcast_in_dim3A_26 : vector<1024x1xf32> to vector<1024x8xf32>
    %div3A_27 = arith.divf %exp3A, %div3A : vector<1024x8xf32>
    %reshape3A = vector.shape_cast %dot_general3A_13 : vector<8192x256xf32> to vector<1024x8x256xf32>
    %broadcast_in_dim3A_28 = vector.shape_cast %div3A_27 : vector<1024x8xf32> to vector<1024x8x1xf32>
    %mul3A = vector.broadcast %broadcast_in_dim3A_28 : vector<1024x8x1xf32> to vector<1024x8x256xf32>
    %mul3A_29 = arith.mulf %reshape3A, %mul3A : vector<1024x8x256xf32>
    %reduce_sum3A_30 = arith.constant dense<0.000000e+00> : vector<1024x256xf32>
    %reduce_sum3A_31 = vector.multi_reduction <add>, %mul3A_29, %reduce_sum3A_30 [1] : vector<1024x8x256xf32> to vector<1024x256xf32>
    %mul3A_32 = arith.mulf %dot_general3A_5, %reduce_sum3A_31 : vector<1024x256xf32>
    %get3A_33 = arith.constant 0 : index
    %get3A_34 = arith.constant 0 : index
    %get3A_35 = vector.load %arg4[%get3A_33, %get3A_34] : memref<256x256xf32, #tpu.memory_space<vmem>>, vector<256x256xf32>
    %dot_general3A_36 = arith.constant dense<0.000000e+00> : vector<1024x256xf32>
    %dot_general3A_37 = tpu.matmul %mul3A_32, %get3A_35, %dot_general3A_36 {dimension_numbers = #tpu.dot_dimension_numbers<[1], [0], [0], [1], [0, 0, 1, 1], [], []>, transpose_lhs_hint = false} : vector<1024x256xf32>, vector<256x256xf32>, vector<1024x256xf32> -> vector<1024x256xf32>
    %add3A_38 = arith.addf %dot_general3A_37, %get3A_1 : vector<1024x256xf32>
    %reduce_sum3A_39 = arith.constant dense<0.000000e+00> : vector<1024xf32>
    %reduce_sum3A_40 = vector.multi_reduction <add>, %add3A_38, %reduce_sum3A_39 [1] : vector<1024x256xf32> to vector<1024xf32>
    %broadcast_in_dim3A_41 = vector.shape_cast %reduce_sum3A_40 : vector<1024xf32> to vector<1024x1xf32>
    %div3A_42 = arith.constant 2.560000e+02 : f32
    %div3A_43 = vector.broadcast %div3A_42 : f32 to vector<1024x1xf32>
    %div3A_44 = arith.divf %broadcast_in_dim3A_41, %div3A_43 : vector<1024x1xf32>
    %sub3A_45 = vector.broadcast %div3A_44 : vector<1024x1xf32> to vector<1024x256xf32>
    %sub3A_46 = arith.subf %add3A_38, %sub3A_45 : vector<1024x256xf32>
    %integer_pow3A = arith.mulf %sub3A_46, %sub3A_46 : vector<1024x256xf32>
    %reduce_sum3A_47 = arith.constant dense<0.000000e+00> : vector<1024xf32>
    %reduce_sum3A_48 = vector.multi_reduction <add>, %integer_pow3A, %reduce_sum3A_47 [1] : vector<1024x256xf32> to vector<1024xf32>
    %broadcast_in_dim3A_49 = vector.shape_cast %reduce_sum3A_48 : vector<1024xf32> to vector<1024x1xf32>
    %div3A_50 = arith.constant 2.560000e+02 : f32
    %div3A_51 = vector.broadcast %div3A_50 : f32 to vector<1024x1xf32>
    %div3A_52 = arith.divf %broadcast_in_dim3A_49, %div3A_51 : vector<1024x1xf32>
    %sub3A_53 = vector.broadcast %div3A_44 : vector<1024x1xf32> to vector<1024x256xf32>
    %sub3A_54 = arith.subf %add3A_38, %sub3A_53 : vector<1024x256xf32>
    %add3A_55 = arith.constant 9.99999974E-6 : f32
    %add3A_56 = vector.broadcast %add3A_55 : f32 to vector<1024x1xf32>
    %add3A_57 = arith.addf %div3A_52, %add3A_56 : vector<1024x1xf32>
    %sqrt3A = math.sqrt %add3A_57 : vector<1024x1xf32>
    %div3A_58 = vector.broadcast %sqrt3A : vector<1024x1xf32> to vector<1024x256xf32>
    %div3A_59 = arith.divf %sub3A_54, %div3A_58 : vector<1024x256xf32>
    %get3A_60 = arith.constant 0 : index
    %get3A_61 = arith.constant 0 : index
    %get3A_62 = vector.load %arg7[%get3A_60, %get3A_61] : memref<1x256xf32, #tpu.memory_space<vmem>>, vector<1x256xf32>
    %mul3A_63 = vector.broadcast %get3A_62 : vector<1x256xf32> to vector<1024x256xf32>
    %mul3A_64 = arith.mulf %div3A_59, %mul3A_63 : vector<1024x256xf32>
    %get3A_65 = arith.constant 0 : index
    %get3A_66 = arith.constant 0 : index
    %get3A_67 = vector.load %arg8[%get3A_65, %get3A_66] : memref<1x256xf32, #tpu.memory_space<vmem>>, vector<1x256xf32>
    %add3A_68 = vector.broadcast %get3A_67 : vector<1x256xf32> to vector<1024x256xf32>
    %add3A_69 = arith.addf %mul3A_64, %add3A_68 : vector<1024x256xf32>
    %swap3A = arith.constant 0 : index
    %swap3A_70 = arith.constant 0 : index
    %swap3A_71 = vector.load %arg9[%swap3A, %swap3A_70] : memref<1024x256xf32, #tpu.memory_space<vmem>>, vector<1024x256xf32>
    tpu.vector_store %arg9[%swap3A, %swap3A_70], %add3A_69 {strides = array<i32>} : memref<1024x256xf32, #tpu.memory_space<vmem>>, vector<1024x256xf32>,
    return
  }
}

</mosaic_0001>

<sc_bundles>
// kernel: kernel.5.cloned.1.call-start
scs
__scs_entry_jumppad:
0x0: {  	(pc) =	sbr.rel $0x88, $3  }
0x1: {  	(tag) =	ssettag $0x0;
	lr =	simm.s32 $0x1  }
0x2: {  	[smem:$0x3F96] =	sst lr;
	_ =	strace $0xD0000000  }
0x3: {  	_ = 	snop  }
0x4: {  	_ = 	snop  }
0x5: {  	_ = 	snop  }
0x6: {  	_ = 	snop  }
0x7: {  	_ = 	snop  }
__scs_overlays_trampoline_lowered:
0x8: {  	[smem:$0x3FA5] =	sst s0  }
0x9: {  	[smem:$0x3FA6] =	sst s1  }
0xa: {  	[smem:$0x3FA7] =	sst s2  }
0xb: {  	[smem:$0x3FA8] =	sst s3  }
0xc: {  	[smem:$0x3FA9] =	sst s4  }
0xd: {  	[smem:$0x3FAA] =	sst s5  }
0xe: {  	[smem:$0x3FAB] =	sst s6  }
0xf: {  	[smem:$0x3FAC] =	sst s7  }
0x10: {  	[smem:$0x3FAD] =	sst s8  }
0x11: {  	[smem:$0x3FAE] =	sst s9;
	s0 =	simm.s32 @!p0 $0x0  }
0x12: {  	s1 =	sld [smem:$0x3F94];
	s0 =	simm.s32 @p0 $0x1  }
0x13: {  	[smem:$0x3FAF] =	sst s0;
	s0 =	simm.s32 @!p1 $0x0  }
0x14: {  	s2 =	sld [smem:$0x3F93];
	s0 =	simm.s32 @p1 $0x1  }
0x15: {  	[smem:$0x3FB0] =	sst s0;
	s0 =	simm.s32 @!p2 $0x0  }
0x16: {  	s3 =	sld [smem:$0x3FDB];
	s0 =	simm.s32 @p2 $0x1  }
0x17: {  	s4 =	simm.s32 $0x1BF5;
	[smem:$0x3FB2] =	sst s0  }
0x18: {  	s0 =	sld [smem:$0x3F95];
	_ =	swait.ge [sflag:s4], $0x0  }
0x19: {  	s7 =	sld [smem:$0x3F96]  }
0x1a: {  	s8 =	sadd.s32 $0xFFFFE003, lr  }
0x1b: {  	s9 =	sadd.s32 $0xFFFFFEF7, lr;
	s5 =	simm.s32 $0xFFFFFFFF;
	p2 =	slt.u32 s8, $0xFFFFF086  }
0x1c: {  	p1 =	slt.u32 s9, $0xF7A;
	s5 =	simm.s32 @!p2 $0x0  }
0x1d: {  	s5 =	simm.s32 @p1 $0x1;
	p0 =	seq.s32 s7, s2  }
0x1e: {  	s7 =	smul.u32 @!p0 $0xF7A, s2;
	p2 =	seq.s32 @!p0 s5, $0x0  }
0x1f: {  	s9 =	smul.u32 $0xF7A, s1;
	s8 =	simm.s32 @!p0 $0x1BF5;
	p2 =	por !p2, p0  }
0x20: {  	[sflag:s8] =	ssyncset.s32 @!p0 $0xFFFFF086;
	s6 =	sadd.s32 @!p0 s3, s7;
	s7 =	simm.s32 @!p0 $0x108  }
0x21: {  	s3 =	sadd.s32 s3, s9;
	s6 =	sadd.s32 @!p0 $0x88, s6;
	s7 =	simm.s32 @p2 $0x1082  }
0x22: {  	[simem:s7], [sflag:s8] =	dma.local @!p0 [hbm:s6], $0xF7A  }
0x23: {  	s9 =	sor.u32 $0xD0000000, s2;
	s6 =	simm.s32 $0x108;
	_ =	swait.ge @!p0 [sflag:s8], $0x0  }
0x24: {  	s3 =	sadd.s32 $0x88, s3;
	s6 =	simm.s32 @!p1 $0x1082;
	[sflag:s4] =	ssyncset.s32 $0xFFFFF086  }
0x25: {  	[simem:s6], [sflag:s4] =	dma.local [hbm:s3], $0xF7A  }
0x26: {  	[smem:$0x3F96] =	sst s1;
	(tag) =	ssettag s2;
	_ =	strace s9  }
0x27: {  	s1 =	sld [smem:$0x3FA6]  }
0x28: {  	s2 =	sld [smem:$0x3FA7]  }
0x29: {  	s4 =	sld [smem:$0x3FA9]  }
0x2a: {  	p0 =	seq.s32 s5, $0x0;
	s5 =	sld [smem:$0x3FAA]  }
0x2b: {  	s6 =	sld [smem:$0x3FAB]  }
0x2c: {  	s7 =	sld [smem:$0x3FAC]  }
0x2d: {  	s3 =	simm.s32 $0x108;
	s8 =	sld [smem:$0x3FAD]  }
0x2e: {  	s3 =	simm.s32 @!p0 $0x1082;
	s9 =	sld [smem:$0x3FAE]  }
0x2f: {  	lr =	sadd.s32 s0, s3;
	s0 =	sld [smem:$0x3FA5]  }
0x30: {  	s3 =	sld [smem:$0x3FA8]  }
0x31: {  	[smem:$0x3FB1] =	sst s10  }
0x32: {  	s10 =	sld [smem:$0x3FAF];
	_ =	sdelay $0x3  }
0x33: {  	p0 =	seq.s32 s10, $0x1;
	s10 =	sld [smem:$0x3FB1];
	_ =	sdelay $0x3  }
0x34: {  	[smem:$0x3FB1] =	sst s10  }
0x35: {  	s10 =	sld [smem:$0x3FB0];
	_ =	sdelay $0x3  }
0x36: {  	p1 =	seq.s32 s10, $0x1;
	s10 =	sld [smem:$0x3FB1];
	_ =	sdelay $0x3  }
0x37: {  	[smem:$0x3FB1] =	sst s10  }
0x38: {  	s10 =	sld [smem:$0x3FB2]  }
0x39: {  	_ = 	snop;
	(pc) =	sbr.ind lr, $3  }
0x3a: {  	_ = 	snop  }
0x3b: {  	_ = 	snop  }
0x3c: {  	p2 =	seq.s32 s10, $0x1;
	s10 =	sld [smem:$0x3FB1]  }
0x3d: {  	_ =	shalt  }
0x3e: {  	_ =	shalt  }
0x3f: {  	_ =	shalt  }
0x40: {  	_ =	shalt  }
0x41: {  	_ =	shalt  }
0x42: {  	_ =	shalt  }
0x43: {  	_ =	shalt  }
0x44: {  	_ =	shalt  }
0x45: {  	_ =	shalt  }
0x46: {  	_ =	shalt  }
0x47: {  	_ =	shalt  }
0x48: {  	_ =	shalt  }
0x49: {  	_ =	shalt  }
0x4a: {  	_ =	shalt  }
0x4b: {  	_ =	shalt  }
0x4c: {  	_ =	shalt  }
0x4d: {  	_ =	shalt  }
0x4e: {  	_ =	shalt  }
0x4f: {  	_ =	shalt  }
0x50: {  	_ =	shalt  }
0x51: {  	_ =	shalt  }
0x52: {  	_ =	shalt  }
0x53: {  	_ =	shalt  }
0x54: {  	_ =	shalt  }
0x55: {  	_ =	shalt  }
0x56: {  	_ =	shalt  }
0x57: {  	_ =	shalt  }
0x58: {  	_ =	shalt  }
0x59: {  	_ =	shalt  }
0x5a: {  	_ =	shalt  }
0x5b: {  	_ =	shalt  }
0x5c: {  	_ =	shalt  }
0x5d: {  	_ =	shalt  }
0x5e: {  	_ =	shalt  }
0x5f: {  	_ =	shalt  }
0x60: {  	_ =	shalt  }
0x61: {  	_ =	shalt  }
0x62: {  	_ =	shalt  }
0x63: {  	_ =	shalt  }
0x64: {  	_ =	shalt  }
0x65: {  	_ =	shalt  }
0x66: {  	_ =	shalt  }
0x67: {  	_ =	shalt  }
0x68: {  	_ =	shalt  }
0x69: {  	_ =	shalt  }
0x6a: {  	_ =	shalt  }
0x6b: {  	_ =	shalt  }
0x6c: {  	_ =	shalt  }
0x6d: {  	_ =	shalt  }
0x6e: {  	_ =	shalt  }
0x6f: {  	_ =	shalt  }
0x70: {  	_ =	shalt  }
0x71: {  	_ =	shalt  }
0x72: {  	_ =	shalt  }
0x73: {  	_ =	shalt  }
0x74: {  	_ =	shalt  }
0x75: {  	_ =	shalt  }
0x76: {  	_ =	shalt  }
0x77: {  	_ =	shalt  }
0x78: {  	_ =	shalt  }
0x79: {  	_ =	shalt  }
0x7a: {  	_ =	shalt  }
0x7b: {  	_ =	shalt  }
0x7c: {  	_ =	shalt  }
0x7d: {  	_ =	shalt  }
0x7e: {  	_ =	shalt  }
0x7f: {  	_ =	shalt  }
0x80: {  	_ =	shalt  }
0x81: {  	_ =	shalt  }
0x82: {  	_ =	shalt  }
0x83: {  	_ =	shalt  }
0x84: {  	_ =	shalt  }
0x85: {  	_ =	shalt  }
0x86: {  	_ =	shalt  }
0x87: {  	_ =	shalt  }
.Lfunc_end0:
.L_simem_size_0:
called_computation_lowered:
.L_overlay_start_0:
0x88: {  	s2 =	sld [smem:$0x3FD9]  }
0x89: {  	s3 =	sld [smem:$0x3FFE];
	_ =	sdelay $0x1  }
0x8a: {  	s1 =	srdreg.scid  }
0x8b: {  	s0 =	sand.u32 $0x1, s1  }
0x8c: {  	s17 =	sshll.u32 s0, $0xA;
	s2 =	sadd.s32 s3, s2  }
0x8d: {  	s2 =	sadd.s32 s2, s17  }
0x8e: {  	[smem:$0x3FBD] =	sst s2  }
0x8f: {  	_ = 	snop  }
0x90: {  	s2 =	sld [smem:$0x3FC7]  }
0x91: {  	s18 =	sld [smem:$0x3FD0];
	(tm) =	ssettm $0x1  }
0x92: {  	s4 =	sld [smem:$0x3FFB];
	_ =	sdelay $0x3  }
0x93: {  	_ =	strace s4  }
0x94: {  	s4 =	sld [smem:$0x3FFC];
	_ =	sdelay $0x3  }
0x95: {  	_ =	strace s4  }
0x96: {  	s4 =	sld [smem:$0x3FFD];
	_ =	sdelay $0x3  }
0x97: {  	_ =	strace s4  }
0x98: {  	_ =	strace $0x8FFFFFFF  }
0x99: {  	s19 =	sld [smem:$0x3FDB];
	_ =	sdelay $0x1  }
0x9a: {  	s5 =	simm.s32 $_scs_section_size  }
0x9b: {  	s6 =	simm.s32 $_size__tile_overlayer_lowered;
	s7 =	simm.s32 $_tile_overlayer_lowered  }
0x9c: {  	s22 =	simm.s32 $0x1BFF;
	s21 =	sshll.u32 s7, $0x1;
	s4 =	sadd.s32 s5, s19  }
0x9d: {  	s8 =	simm.s32 $0x0;
	s20 =	sshll.u32 s6, $0x1;
	s6 =	sadd.s32 s21, s4  }
0x9e: {  	[timem:s8], [sflag:s22] =	dma.local [hbm:s6], s20  }
0x9f: {  	_ =	swait.ge [sflag:s22], s20  }
0xa0: {  	s5 =	ssub.s32 $0x0, s20;
	[sflag:s22] =	ssyncset.done $0x0  }
0xa1: {  	[sflag:s22] =	ssyncadd.s32 s5;
	_ =	sdelay $0x1  }
0xa2: {  	s23 =	simm.s32 $0x1B8B  }
0xa3: {  	_ =	swait.ge [sflag:s23], $0x1  }
0xa4: {  	[sflag:s23] =	ssyncset.done $0x0  }
0xa5: {  	s25 =	simm.s32 $0x1B8E;
	s24 =	sld [smem:$0x3FFE];
	[sflag:s23] =	ssyncadd.s32 $0xFFFFFFFF  }
0xa6: {  	s26 =	simm.s32 $execute0_lowered;
	[smem:$0x3FD2] =	sst s25  }
0xa7: {  	s6 =	sshll.u32 s26, $0x1;
	_ =	strace $0x80000046;
	[dreg:$0x1] =	wrdreg $0xFFFFFFFF  }
0xa8: {  	s28 =	simm.s32 $_size_execute0_lowered;
	s4 =	sadd.s32 s4, s6;
	[dreg:$0x0] =	wrdreg $0x0  }
0xa9: {  	s6 =	sshll.u32 s28, $0x1;
	[dreg:$0x2] =	wrdreg s4  }
0xaa: {  	[dreg:$0x3] =	wrdreg s6  }
0xab: {  	[dreg:$0x4] =	wrdreg $0xC0  }
0xac: {  	_ =	task [dreg:s8], $0x5FFFF  }
0xad: {  	[dreg:$0x1] =	wrdreg $0xFFFFFFFF  }
0xae: {  	[dreg:$0x0] =	wrdreg $0x60  }
0xaf: {  	[dreg:$0x2] =	wrdreg s2  }
0xb0: {  	[dreg:$0x3] =	wrdreg s18  }
0xb1: {  	[dreg:$0x4] =	wrdreg s24  }
0xb2: {  	[dreg:$0x5] =	wrdreg $0x9  }
0xb3: {  	_ =	task.clear_ibuf [dreg:s8], $0x6FFFF;
	_ =	strace $0x90000046  }
0xb4: {  	s29 =	simm.s32 $0x9;
	_ =	strace $0x80000048  }
0xb5: {  	_ =	swait.ge [sflag:s29], $0x1  }
0xb6: {  	[sflag:s29] =	ssyncadd.s32 $0xFFFFFFFF  }
0xb7: {  	_ =	strace $0x90000048  }
0xb8: {  	_ =	sfence  }
0xb9: {  	s30 =	sld [smem:$0x0];
	_ =	sdelay $0x2  }
0xba: {  	s31 =	sshll.u32 s1, $0xD;
	s1 =	sshrl.u32 s1, $0x2  }
0xbb: {  	s3 =	sand.u32 $0x4000, s31;
	s1 =	sadd.s32 s1, s30  }
0xbc: {  	s0 =	sor.u32 s3, s0;
	s1 =	sshll.u32 s1, $0x11  }
0xbd: {  	s0 =	sor.u32 s1, s0  }
0xbe: {  	s0 =	sadd.s32 $0x8F2B, s0  }
0xbf: {  	[sflag:s0] =	ssyncadd.remote.s32 $0x1  }
0xc0: {  	_ =	sfence.sel $0xFFFF  }
0xc1: {  	[dreg:$0x0] =	wrdreg $0xFFFFFFFF;
	(pc) =	sbr.abs _section_cstart, $3  }
0xc2: {  	[dreg:$0x1] =	wrdreg $0xFFFFFFFF  }
0xc3: {  	_ =	task.clear_ibuf [dreg:s8], $0x2FFFF;
	_ =	strace $0x9FFFFFFF  }
0xc4: {  	(tm) =	ssettm $0x7FFFFFFF  }
0xc5: {  	_ =	shalt  }
tec
execute0_lowered:
.L_overlay_start_1:
0x0: {  	(tag) =	ssettag $0x1  }
0x1: {  	s1 =	rddreg [dreg:$0x0]  }
0x2: {  	s2 =	srdreg.scid;
	s4 =	rddreg [dreg:$0x1]  }
0x3: {  	s0 =	stileid.u32;
	s5 =	rddreg [dreg:$0x2];
	s3 =	simm.s32 $0x0  }
0x4: {  	s19 =	simm.s32 $0x900;
	s20 =	simm.s32 $0x1100;
	s21 =	simm.s32 $0x1900  }
0x5: {  	s23 =	simm.s32 $0x2100;
	s24 =	simm.s32 $0x2900;
	s25 =	simm.s32 $0x3100  }
0x6: {  	s26 =	simm.s32 $0x3900;
	s8 =	simm.s32 $0x4900;
	s9 =	simm.s32 $0x5100  }
0x7: {  	s10 =	simm.s32 $0x5900;
	s11 =	simm.s32 $0x6100;
	s12 =	simm.s32 $0x6900  }
0x8: {  	s13 =	simm.s32 $0x7100;
	s14 =	simm.s32 $0x7900;
	[smem:$0x7FF] =	sst s3  }
0x9: {  	s15 =	simm.s32 $0x8100;
	_ =	strace $0x80000047;
	[dreg:$0x6] =	wrdreg s19  }
0xa: {  	s16 =	simm.s32 $0x8900;
	s17 =	simm.s32 $0x9100;
	[dreg:$0x7] =	wrdreg s20  }
0xb: {  	s28 =	simm.s32 $0xE100;
	s29 =	simm.s32 $0xE900;
	[dreg:$0x8] =	wrdreg s21  }
0xc: {  	s30 =	simm.s32 $0xF100;
	s31 =	simm.s32 $0xF900;
	[dreg:$0x9] =	wrdreg s23  }
0xd: {  	s2 =	sand.u32 $0x1, s2;
	s6 =	sshll.u32 s0, $0x9;
	[dreg:$0xa] =	wrdreg s24  }
0xe: {  	s7 =	sshll.u32 s2, $0x8;
	s2 =	ssub.s32 $0x2, s2;
	[dreg:$0xb] =	wrdreg s25  }
0xf: {  	[dreg:$0xc] =	wrdreg s26;
	s19 =	simm.s32 $0xA100;
	s20 =	simm.s32 $0xA900  }
0x10: {  	s21 =	simm.s32 $0xB100;
	s23 =	simm.s32 $0xC100;
	s24 =	simm.s32 $0xC900  }
0x11: {  	s25 =	simm.s32 $0xD100;
	s26 =	simm.s32 $0xD900;
	s6 =	sor.u32 s7, s6  }
0x12: {  	s22 =	sshrl.u32 s2, $0x1;
	s7 =	sshll.u32 s6, $0x5;
	s6 =	sshrl.u32 s6, $0x3  }
0x13: {  	s2 =	ssub.s32 s2, s22;
	s22 =	simm.s32 $0xB900;
	s4 =	sadd.s32 s4, s6  }
0x14: {  	v2 =	vlaneseq.u32;
	s5 =	sadd.s32 s7, s5;
	s6 =	simm.s32 $0x100;
	[dreg:$0x4] =	wrdreg s4  }
0x15: {  	vm0 =	vmmov $0xffff;
	v1 =	vshrl.u32 v2, $0x3;
	s18 =	sadd.s32 $0xE00, s5;
	s4 =	smax.u32 s2, $0x1;
	s5 =	simm.s32 $0x2  }
0x16: {  	v0 =	vand.u32 $0x7, v2;
	v2 =	vor.u32 $0x8, v2;
	v1 =	vmul.u32 $0x8, v1;
	s2 =	simm.s32 $0x1;
	[dreg:$0x5] =	wrdreg s18;
	s18 =	simm.s32 $0x9900  }
.LBB2_1:
0x17: {  	s0 =	rddreg [dreg:$0x4]  }
0x18: {  	[tilespmem:s3], [sflag:$0x2] =	stream.linear.gather [hbm4b:s0+s3], $0x100, $0x38;
	[tilespmem:$0x10100] =	vst v63  }
0x19: {  	_ =	swait.ge [sflag:s5], $0x100  }
0x1a: {  	[sflag:s5] =	ssyncset.done $0x0  }
0x1b: {  	[sflag:s5] =	ssyncadd.s32 $0xFFFFFF00  }
0x1c: {  	v3 =	vld [tilespmem:$0x0];
	_ =	sdelay $0x4  }
0x1d: {  	v4 =	vshll.u32 v3, $0x1  }
0x1e: {  	v3 =	vand.u32 $0x7, v3;
	v4 =	vand.u32 $0xFFFFFFF0, v4  }
0x1f: {  	v3 =	vor.u32 v3, v4  }
0x20: {  	v4 =	vperm.xlane v3, v0;
	_ =	sdelay $0x1  }
0x21: {  	v3 =	vperm.xlane v3, v2;
	v4 =	vadd.s32 v1, v4;
	_ =	sdelay $0x1  }
0x22: {  	v3 =	vadd.s32 v1, v3;
	_ =	sdelay $0x2  }
0x23: {  	[tilespmem:s6], [sflag:$0x1] =	stream.indirect_vreg.gather [hbm4b:s1+s3], $0x80, v4, vm0, $0xb8;
	[tilespmem:$0x10100] =	vst v63  }
0x24: {  	s7 =	rddreg [dreg:$0x6]  }
0x25: {  	[tilespmem:s7], [sflag:$0x1] =	stream.indirect_vreg.gather [hbm4b:s1+s3], $0x80, v3, vm0, $0xb8;
	[tilespmem:$0x10100] =	vst v63  }
0x26: {  	v3 =	vld [tilespmem:$0x10];
	_ =	sdelay $0x4  }
0x27: {  	v49 =	vshll.u32 v3, $0x1  }
0x28: {  	v3 =	vand.u32 $0x7, v3;
	v4 =	vand.u32 $0xFFFFFFF0, v49  }
0x29: {  	v3 =	vor.u32 v3, v4  }
0x2a: {  	v4 =	vperm.xlane v3, v0;
	_ =	sdelay $0x1  }
0x2b: {  	v3 =	vperm.xlane v3, v2;
	v4 =	vadd.s32 v1, v4;
	_ =	sdelay $0x1  }
0x2c: {  	v3 =	vadd.s32 v1, v3;
	_ =	sdelay $0x1  }
0x2d: {  	s0 =	rddreg [dreg:$0x7]  }
0x2e: {  	[tilespmem:s0], [sflag:$0x1] =	stream.indirect_vreg.gather [hbm4b:s1+s3], $0x80, v4, vm0, $0xb8;
	[tilespmem:$0x10100] =	vst v63  }
0x2f: {  	s7 =	rddreg [dreg:$0x8]  }
0x30: {  	[tilespmem:s7], [sflag:$0x1] =	stream.indirect_vreg.gather [hbm4b:s1+s3], $0x80, v3, vm0, $0xb8;
	[tilespmem:$0x10100] =	vst v63  }
0x31: {  	v3 =	vld [tilespmem:$0x20];
	_ =	sdelay $0x4  }
0x32: {  	v50 =	vshll.u32 v3, $0x1  }
0x33: {  	v3 =	vand.u32 $0x7, v3;
	v4 =	vand.u32 $0xFFFFFFF0, v50  }
0x34: {  	v3 =	vor.u32 v3, v4  }
0x35: {  	v4 =	vperm.xlane v3, v0;
	_ =	sdelay $0x1  }
0x36: {  	v3 =	vperm.xlane v3, v2;
	v4 =	vadd.s32 v1, v4;
	_ =	sdelay $0x1  }
0x37: {  	v3 =	vadd.s32 v1, v3;
	_ =	sdelay $0x1  }
0x38: {  	s0 =	rddreg [dreg:$0x9]  }
0x39: {  	[tilespmem:s0], [sflag:$0x1] =	stream.indirect_vreg.gather [hbm4b:s1+s3], $0x80, v4, vm0, $0xb8;
	[tilespmem:$0x10100] =	vst v63  }
0x3a: {  	s7 =	rddreg [dreg:$0xa]  }
0x3b: {  	[tilespmem:s7], [sflag:$0x1] =	stream.indirect_vreg.gather [hbm4b:s1+s3], $0x80, v3, vm0, $0xb8;
	[tilespmem:$0x10100] =	vst v63  }
0x3c: {  	v3 =	vld [tilespmem:$0x30];
	_ =	sdelay $0x4  }
0x3d: {  	v51 =	vshll.u32 v3, $0x1  }
0x3e: {  	v3 =	vand.u32 $0x7, v3;
	v4 =	vand.u32 $0xFFFFFFF0, v51  }
0x3f: {  	v3 =	vor.u32 v3, v4  }
0x40: {  	v4 =	vperm.xlane v3, v0;
	_ =	sdelay $0x1  }
0x41: {  	v3 =	vperm.xlane v3, v2;
	v4 =	vadd.s32 v1, v4;
	_ =	sdelay $0x1  }
0x42: {  	v3 =	vadd.s32 v1, v3;
	_ =	sdelay $0x1  }
0x43: {  	s0 =	rddreg [dreg:$0xb]  }
0x44: {  	[tilespmem:s0], [sflag:$0x1] =	stream.indirect_vreg.gather [hbm4b:s1+s3], $0x80, v4, vm0, $0xb8;
	[tilespmem:$0x10100] =	vst v63  }
0x45: {  	s7 =	rddreg [dreg:$0xc]  }
0x46: {  	[tilespmem:s7], [sflag:$0x1] =	stream.indirect_vreg.gather [hbm4b:s1+s3], $0x80, v3, vm0, $0xb8;
	[tilespmem:$0x10100] =	vst v63  }
0x47: {  	v3 =	vld [tilespmem:$0x40];
	_ =	sdelay $0x4  }
0x48: {  	v52 =	vshll.u32 v3, $0x1  }
0x49: {  	v3 =	vand.u32 $0x7, v3;
	v4 =	vand.u32 $0xFFFFFFF0, v52  }
0x4a: {  	v3 =	vor.u32 v3, v4  }
0x4b: {  	v4 =	vperm.xlane v3, v0;
	_ =	sdelay $0x1  }
0x4c: {  	v3 =	vperm.xlane v3, v2;
	v4 =	vadd.s32 v1, v4;
	_ =	sdelay $0x1  }
0x4d: {  	v3 =	vadd.s32 v1, v3;
	_ =	sdelay $0x1  }
0x4e: {  	s7 =	simm.s32 $0x4100  }
0x4f: {  	[tilespmem:s7], [sflag:$0x1] =	stream.indirect_vreg.gather [hbm4b:s1+s3], $0x80, v4, vm0, $0xb8;
	[tilespmem:$0x10100] =	vst v63  }
0x50: {  	_ = 	snop  }
0x51: {  	[tilespmem:s8], [sflag:$0x1] =	stream.indirect_vreg.gather [hbm4b:s1+s3], $0x80, v3, vm0, $0xb8;
	[tilespmem:$0x10100] =	vst v63  }
0x52: {  	v3 =	vld [tilespmem:$0x50];
	_ =	sdelay $0x4  }
0x53: {  	v53 =	vshll.u32 v3, $0x1  }
0x54: {  	v3 =	vand.u32 $0x7, v3;
	v4 =	vand.u32 $0xFFFFFFF0, v53  }
0x55: {  	v3 =	vor.u32 v3, v4  }
0x56: {  	v4 =	vperm.xlane v3, v0;
	_ =	sdelay $0x1  }
0x57: {  	v3 =	vperm.xlane v3, v2;
	v4 =	vadd.s32 v1, v4;
	_ =	sdelay $0x1  }
0x58: {  	v3 =	vadd.s32 v1, v3;
	_ =	sdelay $0x2  }
0x59: {  	[tilespmem:s9], [sflag:$0x1] =	stream.indirect_vreg.gather [hbm4b:s1+s3], $0x80, v4, vm0, $0xb8;
	[tilespmem:$0x10100] =	vst v63  }
0x5a: {  	_ = 	snop  }
0x5b: {  	[tilespmem:s10], [sflag:$0x1] =	stream.indirect_vreg.gather [hbm4b:s1+s3], $0x80, v3, vm0, $0xb8;
	[tilespmem:$0x10100] =	vst v63  }
0x5c: {  	v3 =	vld [tilespmem:$0x60];
	_ =	sdelay $0x4  }
0x5d: {  	v54 =	vshll.u32 v3, $0x1  }
0x5e: {  	v3 =	vand.u32 $0x7, v3;
	v4 =	vand.u32 $0xFFFFFFF0, v54  }
0x5f: {  	v3 =	vor.u32 v3, v4  }
0x60: {  	v4 =	vperm.xlane v3, v0;
	_ =	sdelay $0x1  }
0x61: {  	v3 =	vperm.xlane v3, v2;
	v4 =	vadd.s32 v1, v4;
	_ =	sdelay $0x1  }
0x62: {  	v3 =	vadd.s32 v1, v3;
	_ =	sdelay $0x2  }
0x63: {  	[tilespmem:s11], [sflag:$0x1] =	stream.indirect_vreg.gather [hbm4b:s1+s3], $0x80, v4, vm0, $0xb8;
	[tilespmem:$0x10100] =	vst v63  }
0x64: {  	_ = 	snop  }
0x65: {  	[tilespmem:s12], [sflag:$0x1] =	stream.indirect_vreg.gather [hbm4b:s1+s3], $0x80, v3, vm0, $0xb8;
	[tilespmem:$0x10100] =	vst v63  }
0x66: {  	v3 =	vld [tilespmem:$0x70];
	_ =	sdelay $0x4  }
0x67: {  	v55 =	vshll.u32 v3, $0x1  }
0x68: {  	v3 =	vand.u32 $0x7, v3;
	v4 =	vand.u32 $0xFFFFFFF0, v55  }
0x69: {  	v3 =	vor.u32 v3, v4  }
0x6a: {  	v4 =	vperm.xlane v3, v0;
	_ =	sdelay $0x1  }
0x6b: {  	v3 =	vperm.xlane v3, v2;
	v4 =	vadd.s32 v1, v4;
	_ =	sdelay $0x1  }
0x6c: {  	v3 =	vadd.s32 v1, v3;
	_ =	sdelay $0x2  }
0x6d: {  	[tilespmem:s13], [sflag:$0x1] =	stream.indirect_vreg.gather [hbm4b:s1+s3], $0x80, v4, vm0, $0xb8;
	[tilespmem:$0x10100] =	vst v63  }
0x6e: {  	_ = 	snop  }
0x6f: {  	[tilespmem:s14], [sflag:$0x1] =	stream.indirect_vreg.gather [hbm4b:s1+s3], $0x80, v3, vm0, $0xb8;
	[tilespmem:$0x10100] =	vst v63  }
0x70: {  	v3 =	vld [tilespmem:$0x80];
	_ =	sdelay $0x4  }
0x71: {  	v56 =	vshll.u32 v3, $0x1  }
0x72: {  	v3 =	vand.u32 $0x7, v3;
	v4 =	vand.u32 $0xFFFFFFF0, v56  }
0x73: {  	v3 =	vor.u32 v3, v4  }
0x74: {  	v4 =	vperm.xlane v3, v0;
	_ =	sdelay $0x1  }
0x75: {  	v3 =	vperm.xlane v3, v2;
	v4 =	vadd.s32 v1, v4;
	_ =	sdelay $0x1  }
0x76: {  	v3 =	vadd.s32 v1, v3;
	_ =	sdelay $0x2  }
0x77: {  	[tilespmem:s15], [sflag:$0x1] =	stream.indirect_vreg.gather [hbm4b:s1+s3], $0x80, v4, vm0, $0xb8;
	[tilespmem:$0x10100] =	vst v63  }
0x78: {  	_ = 	snop  }
0x79: {  	[tilespmem:s16], [sflag:$0x1] =	stream.indirect_vreg.gather [hbm4b:s1+s3], $0x80, v3, vm0, $0xb8;
	[tilespmem:$0x10100] =	vst v63  }
0x7a: {  	v3 =	vld [tilespmem:$0x90];
	_ =	sdelay $0x4  }
0x7b: {  	v57 =	vshll.u32 v3, $0x1  }
0x7c: {  	v3 =	vand.u32 $0x7, v3;
	v4 =	vand.u32 $0xFFFFFFF0, v57  }
0x7d: {  	v3 =	vor.u32 v3, v4  }
0x7e: {  	v4 =	vperm.xlane v3, v0;
	_ =	sdelay $0x1  }
0x7f: {  	v3 =	vperm.xlane v3, v2;
	v4 =	vadd.s32 v1, v4;
	_ =	sdelay $0x1  }
0x80: {  	v3 =	vadd.s32 v1, v3;
	_ =	sdelay $0x2  }
0x81: {  	[tilespmem:s17], [sflag:$0x1] =	stream.indirect_vreg.gather [hbm4b:s1+s3], $0x80, v4, vm0, $0xb8;
	[tilespmem:$0x10100] =	vst v63  }
0x82: {  	_ = 	snop  }
0x83: {  	[tilespmem:s18], [sflag:$0x1] =	stream.indirect_vreg.gather [hbm4b:s1+s3], $0x80, v3, vm0, $0xb8;
	[tilespmem:$0x10100] =	vst v63  }
0x84: {  	v3 =	vld [tilespmem:$0xA0];
	_ =	sdelay $0x4  }
0x85: {  	v58 =	vshll.u32 v3, $0x1  }
0x86: {  	v3 =	vand.u32 $0x7, v3;
	v4 =	vand.u32 $0xFFFFFFF0, v58  }
0x87: {  	v3 =	vor.u32 v3, v4  }
0x88: {  	v4 =	vperm.xlane v3, v0;
	_ =	sdelay $0x1  }
0x89: {  	v3 =	vperm.xlane v3, v2;
	v4 =	vadd.s32 v1, v4;
	_ =	sdelay $0x1  }
0x8a: {  	v3 =	vadd.s32 v1, v3;
	_ =	sdelay $0x2  }
0x8b: {  	[tilespmem:s19], [sflag:$0x1] =	stream.indirect_vreg.gather [hbm4b:s1+s3], $0x80, v4, vm0, $0xb8;
	[tilespmem:$0x10100] =	vst v63  }
0x8c: {  	_ = 	snop  }
0x8d: {  	[tilespmem:s20], [sflag:$0x1] =	stream.indirect_vreg.gather [hbm4b:s1+s3], $0x80, v3, vm0, $0xb8;
	[tilespmem:$0x10100] =	vst v63  }
0x8e: {  	v3 =	vld [tilespmem:$0xB0];
	_ =	sdelay $0x4  }
0x8f: {  	v59 =	vshll.u32 v3, $0x1  }
0x90: {  	v3 =	vand.u32 $0x7, v3;
	v4 =	vand.u32 $0xFFFFFFF0, v59  }
0x91: {  	v3 =	vor.u32 v3, v4  }
0x92: {  	v4 =	vperm.xlane v3, v0;
	_ =	sdelay $0x1  }
0x93: {  	v3 =	vperm.xlane v3, v2;
	v4 =	vadd.s32 v1, v4;
	_ =	sdelay $0x1  }
0x94: {  	v3 =	vadd.s32 v1, v3;
	_ =	sdelay $0x2  }
0x95: {  	[tilespmem:s21], [sflag:$0x1] =	stream.indirect_vreg.gather [hbm4b:s1+s3], $0x80, v4, vm0, $0xb8;
	[tilespmem:$0x10100] =	vst v63  }
0x96: {  	_ = 	snop  }
0x97: {  	[tilespmem:s22], [sflag:$0x1] =	stream.indirect_vreg.gather [hbm4b:s1+s3], $0x80, v3, vm0, $0xb8;
	[tilespmem:$0x10100] =	vst v63  }
0x98: {  	v3 =	vld [tilespmem:$0xC0];
	_ =	sdelay $0x4  }
0x99: {  	v60 =	vshll.u32 v3, $0x1  }
0x9a: {  	v3 =	vand.u32 $0x7, v3;
	v4 =	vand.u32 $0xFFFFFFF0, v60  }
0x9b: {  	v3 =	vor.u32 v3, v4  }
0x9c: {  	v4 =	vperm.xlane v3, v0;
	_ =	sdelay $0x1  }
0x9d: {  	v3 =	vperm.xlane v3, v2;
	v4 =	vadd.s32 v1, v4;
	_ =	sdelay $0x1  }
0x9e: {  	v3 =	vadd.s32 v1, v3;
	_ =	sdelay $0x2  }
0x9f: {  	[tilespmem:s23], [sflag:$0x1] =	stream.indirect_vreg.gather [hbm4b:s1+s3], $0x80, v4, vm0, $0xb8;
	[tilespmem:$0x10100] =	vst v63  }
0xa0: {  	_ = 	snop  }
0xa1: {  	[tilespmem:s24], [sflag:$0x1] =	stream.indirect_vreg.gather [hbm4b:s1+s3], $0x80, v3, vm0, $0xb8;
	[tilespmem:$0x10100] =	vst v63  }
0xa2: {  	v3 =	vld [tilespmem:$0xD0];
	_ =	sdelay $0x4  }
0xa3: {  	v61 =	vshll.u32 v3, $0x1  }
0xa4: {  	v3 =	vand.u32 $0x7, v3;
	v4 =	vand.u32 $0xFFFFFFF0, v61  }
0xa5: {  	v3 =	vor.u32 v3, v4  }
0xa6: {  	v4 =	vperm.xlane v3, v0;
	_ =	sdelay $0x1  }
0xa7: {  	v3 =	vperm.xlane v3, v2;
	v4 =	vadd.s32 v1, v4;
	_ =	sdelay $0x1  }
0xa8: {  	v3 =	vadd.s32 v1, v3;
	_ =	sdelay $0x2  }
0xa9: {  	[tilespmem:s25], [sflag:$0x1] =	stream.indirect_vreg.gather [hbm4b:s1+s3], $0x80, v4, vm0, $0xb8;
	[tilespmem:$0x10100] =	vst v63  }
0xaa: {  	_ = 	snop  }
0xab: {  	[tilespmem:s26], [sflag:$0x1] =	stream.indirect_vreg.gather [hbm4b:s1+s3], $0x80, v3, vm0, $0xb8;
	[tilespmem:$0x10100] =	vst v63  }
0xac: {  	v3 =	vld [tilespmem:$0xE0];
	_ =	sdelay $0x4  }
0xad: {  	v62 =	vshll.u32 v3, $0x1  }
0xae: {  	v3 =	vand.u32 $0x7, v3;
	v4 =	vand.u32 $0xFFFFFFF0, v62  }
0xaf: {  	v3 =	vor.u32 v3, v4  }
0xb0: {  	v4 =	vperm.xlane v3, v0;
	_ =	sdelay $0x1  }
0xb1: {  	v3 =	vperm.xlane v3, v2;
	v4 =	vadd.s32 v1, v4;
	_ =	sdelay $0x1  }
0xb2: {  	v3 =	vadd.s32 v1, v3;
	_ =	sdelay $0x2  }
0xb3: {  	[tilespmem:s28], [sflag:$0x1] =	stream.indirect_vreg.gather [hbm4b:s1+s3], $0x80, v4, vm0, $0xb8;
	[tilespmem:$0x10100] =	vst v63  }
0xb4: {  	_ = 	snop  }
0xb5: {  	[tilespmem:s29], [sflag:$0x1] =	stream.indirect_vreg.gather [hbm4b:s1+s3], $0x80, v3, vm0, $0xb8;
	[tilespmem:$0x10100] =	vst v63  }
0xb6: {  	v3 =	vld [tilespmem:$0xF0];
	_ =	sdelay $0x4  }
0xb7: {  	v63 =	vshll.u32 v3, $0x1  }
0xb8: {  	v3 =	vand.u32 $0x7, v3;
	v4 =	vand.u32 $0xFFFFFFF0, v63  }
0xb9: {  	v3 =	vor.u32 v3, v4  }
0xba: {  	v4 =	vperm.xlane v3, v0;
	_ =	sdelay $0x1  }
0xbb: {  	v3 =	vperm.xlane v3, v2;
	v4 =	vadd.s32 v1, v4;
	_ =	sdelay $0x1  }
0xbc: {  	v3 =	vadd.s32 v1, v3;
	_ =	sdelay $0x2  }
0xbd: {  	[tilespmem:s30], [sflag:$0x1] =	stream.indirect_vreg.gather [hbm4b:s1+s3], $0x80, v4, vm0, $0xb8;
	[tilespmem:$0x10100] =	vst v63  }
0xbe: {  	_ = 	snop  }
0xbf: {  	[tilespmem:s31], [sflag:$0x1] =	stream.indirect_vreg.gather [hbm4b:s1+s3], $0x80, v3, vm0, $0xb8;
	[tilespmem:$0x10100] =	vst v63  }
0xc0: {  	_ =	swait.ge [sflag:s2], $0x10000  }
0xc1: {  	p0 =	sne.s32 s4, $0x1;
	[sflag:s2] =	ssyncset.done $0x0  }
.Ltmp0:
0xc2: {  	s7 =	rddreg [dreg:$0x5];
	[sflag:s2] =	ssyncadd.s32 $0xFFFF0000;
	(pc) =	sbr.rel @p0 .LBB2_1-.Ltmp0, $4  }
0xc3: {  	[hbm4b:s7+s3] =	stream.linear.scatter [tilespmem:s6], [sflag:$0x2], $0x10000, $0x38;
	[tilespmem:$0x10100] =	vst v63  }
0xc4: {  	_ =	swait.ge [sflag:s5], $0x10000  }
0xc5: {  	[sflag:s5] =	ssyncset.done $0x0  }
0xc6: {  	s4 =	sadd.s32 $0xFFFFFFFF, s4;
	[sflag:s5] =	ssyncadd.s32 $0xFFFF0000  }
0xc7: {  	_ =	sfence.sel $0x180000  }
0xc8: {  	[bflag:$0x0] =	sbarrier.arrive $0xFFFF  }
0xc9: {  	_ =	strace $0x90000047  }
0xca: {  	s0 =	stileid.u32;
	[bflag:$0x2] =	sbarrier.arrive $0xFFFF  }
0xcb: {  	p0 =	sne.s32 s0, $0x0;
	s0 =	rddreg [dreg:$0x3]  }
0xcc: {  	s0 =	sadd.s32 @!p0 $0x100000, s0  }
0xcd: {  	[sflag:s0] =	ssyncadd.tile.s32 @!p0 $0x1;
	_ =	shalt  }
.Lfunc_end2:
_tile_overlayer_lowered:
.L_overlay_start_2:
0xce: {  	(tag) =	ssettag $0x2  }
0xcf: {  	s0 =	rddreg [dreg:$0x0];
	s2 =	stileid.u32  }
0xd0: {  	s1 =	rddreg [dreg:$0x1];
	p0 =	sne.s32 s2, $0x0  }
0xd1: {  	s3 =	rddreg [dreg:$0x2];
	[bflag:$0x3] =	sbarrier.arrive $0xFFFF;
	s2 =	simm.s32 @!p0 $0x1C02  }
0xd2: {  	[timem:s3], [sflag:s2] =	dma.local @!p0 [hbm:s0], s1  }
0xd3: {  	s0 =	simm.s32 @!p0 $0x2  }
0xd4: {  	_ =	swait.ge @!p0 [sflag:s0], s1  }
0xd5: {  	s1 =	ssub.s32 @!p0 $0x0, s1;
	[sflag:s0] =	ssyncset.done @!p0 $0x0  }
0xd6: {  	[sflag:s0] =	ssyncadd.s32 @!p0 s1  }
0xd7: {  	[bflag:$0x3] =	sbarrier.arrive $0xFFFF  }
0xd8: {  	_ =	shalt  }

</sc_bundles>
